<compile_context>
chip_gen: v7x
topology: tpu7x:2x2x1
jax: 0.10.2.dev20260603
libtpu: 0.0.44.dev20260713+nightly
codegen_flags: <defaults>
</compile_context>

<pallas_src>
import functools

import jax
import jax.numpy as jnp
from jax import lax
from jax.experimental import pallas as pl
from jax.experimental.pallas import tpu as pltpu
from jax.experimental.pallas import tpu_sc as plsc

D = 128
TOTAL = 4096 * 200
NC, NS = 2, 16
NW = NC * NS
ROWS_PER_W = TOTAL // NW
CHUNK = 128
NIDX = ROWS_PER_W // CHUNK
GPC = 1
NCHUNK = NIDX // GPC
NBUF = 5


def _emb_call(tok2d, table):
  mesh = plsc.VectorSubcoreMesh(core_axis_name="c", subcore_axis_name="s")

  @functools.partial(
      pl.kernel,
      mesh=mesh,
      out_type=jax.ShapeDtypeStruct((TOTAL, D), jnp.float32),
      scratch_types=[
          pltpu.VMEM((NIDX, CHUNK), jnp.int32),
          pltpu.VMEM((NBUF, GPC * CHUNK, D), jnp.float32),
          pltpu.SemaphoreType.DMA((NBUF,)),
          pltpu.SemaphoreType.DMA((NBUF,)),
      ],
  )
  def emb(tok_hbm, table_hbm, out_hbm, idx_v, rows_v, gsem, osem):
    wid = lax.axis_index("s") * NC + lax.axis_index("c")
    base = wid * ROWS_PER_W

    pltpu.sync_copy(tok_hbm.at[pl.ds(wid * NIDX, NIDX)], idx_v)

    def gather_start(j, b):
      for k in range(GPC):
        pltpu.async_copy(
            table_hbm.at[idx_v.at[j * GPC + k]],
            rows_v.at[b, pl.ds(k * CHUNK, CHUNK)],
            gsem.at[b],
        )

    def gather_wait(j, b):
      for k in range(GPC):
        pltpu.make_async_copy(
            table_hbm.at[idx_v.at[j * GPC + k]],
            rows_v.at[b, pl.ds(k * CHUNK, CHUNK)],
            gsem.at[b],
        ).wait()

    def out_start(j, b):
      pltpu.async_copy(
          rows_v.at[b],
          out_hbm.at[pl.ds(base + j * GPC * CHUNK, GPC * CHUNK)],
          osem.at[b],
      )

    def out_wait(j, b):
      pltpu.make_async_copy(
          rows_v.at[b],
          out_hbm.at[pl.ds(base + j * GPC * CHUNK, GPC * CHUNK)],
          osem.at[b],
      ).wait()

    for b in range(NBUF):
      gather_start(b, b)

    def group(i, carry):
      g = i * NBUF
      for b in range(NBUF):
        gather_wait(g + b, b)
        out_start(g + b, b)
      for b in range(NBUF):
        out_wait(g + b, b)
        gather_start(g + b + NBUF, b)
      return carry

    lax.fori_loop(0, NCHUNK // NBUF - 1, group, 0, unroll=False)

    g = NCHUNK - NBUF
    for b in range(NBUF):
      gather_wait(g + b, b)
      out_start(g + b, b)
    for b in range(NBUF):
      out_wait(g + b, b)

  return emb(tok2d, table)


def kernel(token_ids, weight):
  tok2d = token_ids.astype(jnp.int32).reshape(TOTAL // CHUNK, CHUNK)
  out = _emb_call(tok2d, weight)
  return out.reshape(token_ids.shape + (D,))

# --- scband reference (transcript-rebuilt; emitter-appended) ---
"""Pipeline reference for scband-embedding-88794153878159 (READ-ONLY COPY).

The authoritative reference and input builder live on the scoring server;
editing this copy changes nothing except your own understanding.
"""

import jax, jax.numpy as jnp
import numpy as np

NUM_EMBEDDINGS = 100000
EMBEDDING_DIM = 128

def _trunc_normal(key, shape, std=1.0, a=-3.0, b=3.0):
    # truncated normal in [a, b] with given std (mean 0)
    u = jax.random.truncated_normal(key, a / std, b / std, shape, dtype=jnp.float32)
    return u * std

def setup_inputs(seed: int = 0) -> dict:
    key = jax.random.key(seed)
    k1, k2 = jax.random.split(key)
    token_ids = jax.random.randint(k1, (4096, 200), 0, NUM_EMBEDDINGS, dtype=jnp.int64 if jax.config.jax_enable_x64 else jnp.int32)
    weight = _trunc_normal(k2, (NUM_EMBEDDINGS, EMBEDDING_DIM))
    return {"token_ids": token_ids, "weight": weight}

def reference(token_ids, weight):
    # Faithful translation of Embedding.forward: self.weight[token_ids]
    return jnp.take(weight, token_ids, axis=0)

if __name__ == "__main__":
    import jax
    _d = setup_inputs()
    print(jax.jit(kernel)(*tuple(_d.values())))

</pallas_src>

<mosaic_0001>
#map = affine_map<(d0, d1) -> (0, 0)>
module attributes {stable_mosaic.version = 14 : i64} {
  func.func @emb(%arg0: i32, %arg1: i32, %arg2: memref<6400x128xi32, #tpu.memory_space<hbm>>, %arg3: memref<100000x128xf32, #tpu.memory_space<hbm>>, %arg4: memref<819200x128xf32, #tpu.memory_space<hbm>>, %arg5: memref<200x128xi32, #tpu.memory_space<vmem>>, %arg6: memref<5x128x128xf32, #tpu.memory_space<vmem>>, %arg7: memref<5x!tpu.dma_semaphore, #tpu.memory_space<semaphore_mem>>, %arg8: memref<5x!tpu.dma_semaphore, #tpu.memory_space<semaphore_mem>>) attributes {dimension_semantics = [#tpu.dimension_semantics<core_parallel>, #tpu.dimension_semantics<subcore_parallel>], iteration_bounds = array<i64: 2, 16>, scalar_prefetch = 0 : i64, scratch_operands = 4 : i64, tpu.core_type = #tpu.core_type<sc_vector_subcore>, window_params = [{transform_indices = #map}, {transform_indices = #map}, {transform_indices = #map}]} {
    %mul3A = arith.constant 2 : i32
    %mul3A_0 = arith.muli %arg1, %mul3A : i32
    %add3A = arith.addi %mul3A_0, %arg0 : i32
    %mul3A_1 = arith.constant 25600 : i32
    %mul3A_2 = arith.muli %add3A, %mul3A_1 : i32
    %mul3A_3 = arith.constant 200 : i32
    %mul3A_4 = arith.muli %add3A, %mul3A_3 : i32
    "tpu.region"() ({
      %run_scoped3A = tpu.sem_alloc : memref<!tpu.dma_semaphore, #tpu.memory_space<semaphore_mem>>
      %dma_start3A_338 = arith.constant 0 : i32
      %dma_start3A_339 = tpu.memref_slice %arg2[%mul3A_4, %dma_start3A_338] : memref<6400x128xi32, #tpu.memory_space<hbm>> -> memref<200x128xi32, #tpu.memory_space<hbm>>
      %dma_start3A_340 = arith.constant 0 : i32
      %dma_start3A_341 = tpu.memref_slice %arg2[%mul3A_4, %dma_start3A_340] : memref<6400x128xi32, #tpu.memory_space<hbm>> -> memref<200x128xi32, #tpu.memory_space<hbm>>
      tpu.enqueue_dma source(%dma_start3A_341 : memref<200x128xi32, #tpu.memory_space<hbm>>) target(%arg5 : memref<200x128xi32, #tpu.memory_space<vmem>>) target_semaphore(%run_scoped3A : memref<!tpu.dma_semaphore, #tpu.memory_space<semaphore_mem>>)
      %dma_wait3A_342 = arith.constant 0 : i32
      %dma_wait3A_343 = tpu.memref_slice %arg2[%mul3A_4, %dma_wait3A_342] : memref<6400x128xi32, #tpu.memory_space<hbm>> -> memref<200x128xi32, #tpu.memory_space<hbm>>
      %dma_wait3A_344 = arith.constant 0 : i32
      %dma_wait3A_345 = tpu.memref_slice %arg2[%mul3A_4, %dma_wait3A_344] : memref<6400x128xi32, #tpu.memory_space<hbm>> -> memref<200x128xi32, #tpu.memory_space<hbm>>
      tpu.wait_dma2 semaphore(%run_scoped3A : memref<!tpu.dma_semaphore, #tpu.memory_space<semaphore_mem>>) src(%dma_wait3A_345 : memref<200x128xi32, #tpu.memory_space<hbm>>) dst(%arg5 : memref<200x128xi32, #tpu.memory_space<vmem>>)
      tpu.yield
    }) : () -> ()
    %dma_start3A = arith.constant 0 : i32
    %dma_start3A_5 = arith.constant 0 : i32
    %dma_start3A_6 = arith.constant 0 : i32
    %dma_start3A_7 = arith.constant 0 : i32
    %dma_start3A_8 = arith.constant 0 : i32
    %dma_start3A_9 = tpu.memref_slice %arg6[%dma_start3A_5, %dma_start3A_7, %dma_start3A_8] : memref<5x128x128xf32, #tpu.memory_space<vmem>> -> memref<1x128x128xf32, #tpu.memory_space<vmem>>
    %dma_start3A_10 = tpu.memref_squeeze %dma_start3A_9 : memref<1x128x128xf32, #tpu.memory_space<vmem>> -> memref<128x128xf32, #tpu.memory_space<vmem>>
    %dma_start3A_11 = arith.constant 0 : i32
    %dma_start3A_12 = tpu.memref_slice %arg5[%dma_start3A, %dma_start3A_11] : memref<200x128xi32, #tpu.memory_space<vmem>> -> memref<1x128xi32, #tpu.memory_space<vmem>>
    %dma_start3A_13 = tpu.memref_squeeze %dma_start3A_12 : memref<1x128xi32, #tpu.memory_space<vmem>> -> memref<128xi32, #tpu.memory_space<vmem>>
    %dma_start3A_14 = arith.constant 0 : i32
    %dma_start3A_15 = arith.constant 0 : i32
    %dma_start3A_16 = tpu.memref_slice %arg3[%dma_start3A_14, %dma_start3A_15] : memref<100000x128xf32, #tpu.memory_space<hbm>> -> memref<100000x128xf32, #tpu.memory_space<hbm>>
    %dma_start3A_17 = tpu.memref_slice %arg7[%dma_start3A_6] : memref<5x!tpu.dma_semaphore, #tpu.memory_space<semaphore_mem>> -> memref<1x!tpu.dma_semaphore, #tpu.memory_space<semaphore_mem>>
    %dma_start3A_18 = tpu.memref_squeeze %dma_start3A_17 : memref<1x!tpu.dma_semaphore, #tpu.memory_space<semaphore_mem>> -> memref<!tpu.dma_semaphore, #tpu.memory_space<semaphore_mem>>
    tpu.enqueue_indirect_dma source(%dma_start3A_16 : memref<100000x128xf32, #tpu.memory_space<hbm>>) target(%dma_start3A_10 : memref<128x128xf32, #tpu.memory_space<vmem>>) offsets(%dma_start3A_13 : memref<128xi32, #tpu.memory_space<vmem>>) semaphore(%dma_start3A_18 : memref<!tpu.dma_semaphore, #tpu.memory_space<semaphore_mem>>)
    %dma_start3A_19 = arith.constant 1 : i32
    %dma_start3A_20 = arith.constant 1 : i32
    %dma_start3A_21 = arith.constant 1 : i32
    %dma_start3A_22 = arith.constant 0 : i32
    %dma_start3A_23 = arith.constant 0 : i32
    %dma_start3A_24 = tpu.memref_slice %arg6[%dma_start3A_20, %dma_start3A_22, %dma_start3A_23] : memref<5x128x128xf32, #tpu.memory_space<vmem>> -> memref<1x128x128xf32, #tpu.memory_space<vmem>>
    %dma_start3A_25 = tpu.memref_squeeze %dma_start3A_24 : memref<1x128x128xf32, #tpu.memory_space<vmem>> -> memref<128x128xf32, #tpu.memory_space<vmem>>
    %dma_start3A_26 = arith.constant 0 : i32
    %dma_start3A_27 = tpu.memref_slice %arg5[%dma_start3A_19, %dma_start3A_26] : memref<200x128xi32, #tpu.memory_space<vmem>> -> memref<1x128xi32, #tpu.memory_space<vmem>>
    %dma_start3A_28 = tpu.memref_squeeze %dma_start3A_27 : memref<1x128xi32, #tpu.memory_space<vmem>> -> memref<128xi32, #tpu.memory_space<vmem>>
    %dma_start3A_29 = arith.constant 0 : i32
    %dma_start3A_30 = arith.constant 0 : i32
    %dma_start3A_31 = tpu.memref_slice %arg3[%dma_start3A_29, %dma_start3A_30] : memref<100000x128xf32, #tpu.memory_space<hbm>> -> memref<100000x128xf32, #tpu.memory_space<hbm>>
    %dma_start3A_32 = tpu.memref_slice %arg7[%dma_start3A_21] : memref<5x!tpu.dma_semaphore, #tpu.memory_space<semaphore_mem>> -> memref<1x!tpu.dma_semaphore, #tpu.memory_space<semaphore_mem>>
    %dma_start3A_33 = tpu.memref_squeeze %dma_start3A_32 : memref<1x!tpu.dma_semaphore, #tpu.memory_space<semaphore_mem>> -> memref<!tpu.dma_semaphore, #tpu.memory_space<semaphore_mem>>
    tpu.enqueue_indirect_dma source(%dma_start3A_31 : memref<100000x128xf32, #tpu.memory_space<hbm>>) target(%dma_start3A_25 : memref<128x128xf32, #tpu.memory_space<vmem>>) offsets(%dma_start3A_28 : memref<128xi32, #tpu.memory_space<vmem>>) semaphore(%dma_start3A_33 : memref<!tpu.dma_semaphore, #tpu.memory_space<semaphore_mem>>)
    %dma_start3A_34 = arith.constant 2 : i32
    %dma_start3A_35 = arith.constant 2 : i32
    %dma_start3A_36 = arith.constant 2 : i32
    %dma_start3A_37 = arith.constant 0 : i32
    %dma_start3A_38 = arith.constant 0 : i32
    %dma_start3A_39 = tpu.memref_slice %arg6[%dma_start3A_35, %dma_start3A_37, %dma_start3A_38] : memref<5x128x128xf32, #tpu.memory_space<vmem>> -> memref<1x128x128xf32, #tpu.memory_space<vmem>>
    %dma_start3A_40 = tpu.memref_squeeze %dma_start3A_39 : memref<1x128x128xf32, #tpu.memory_space<vmem>> -> memref<128x128xf32, #tpu.memory_space<vmem>>
    %dma_start3A_41 = arith.constant 0 : i32
    %dma_start3A_42 = tpu.memref_slice %arg5[%dma_start3A_34, %dma_start3A_41] : memref<200x128xi32, #tpu.memory_space<vmem>> -> memref<1x128xi32, #tpu.memory_space<vmem>>
    %dma_start3A_43 = tpu.memref_squeeze %dma_start3A_42 : memref<1x128xi32, #tpu.memory_space<vmem>> -> memref<128xi32, #tpu.memory_space<vmem>>
    %dma_start3A_44 = arith.constant 0 : i32
    %dma_start3A_45 = arith.constant 0 : i32
    %dma_start3A_46 = tpu.memref_slice %arg3[%dma_start3A_44, %dma_start3A_45] : memref<100000x128xf32, #tpu.memory_space<hbm>> -> memref<100000x128xf32, #tpu.memory_space<hbm>>
    %dma_start3A_47 = tpu.memref_slice %arg7[%dma_start3A_36] : memref<5x!tpu.dma_semaphore, #tpu.memory_space<semaphore_mem>> -> memref<1x!tpu.dma_semaphore, #tpu.memory_space<semaphore_mem>>
    %dma_start3A_48 = tpu.memref_squeeze %dma_start3A_47 : memref<1x!tpu.dma_semaphore, #tpu.memory_space<semaphore_mem>> -> memref<!tpu.dma_semaphore, #tpu.memory_space<semaphore_mem>>
    tpu.enqueue_indirect_dma source(%dma_start3A_46 : memref<100000x128xf32, #tpu.memory_space<hbm>>) target(%dma_start3A_40 : memref<128x128xf32, #tpu.memory_space<vmem>>) offsets(%dma_start3A_43 : memref<128xi32, #tpu.memory_space<vmem>>) semaphore(%dma_start3A_48 : memref<!tpu.dma_semaphore, #tpu.memory_space<semaphore_mem>>)
    %dma_start3A_49 = arith.constant 3 : i32
    %dma_start3A_50 = arith.constant 3 : i32
    %dma_start3A_51 = arith.constant 3 : i32
    %dma_start3A_52 = arith.constant 0 : i32
    %dma_start3A_53 = arith.constant 0 : i32
    %dma_start3A_54 = tpu.memref_slice %arg6[%dma_start3A_50, %dma_start3A_52, %dma_start3A_53] : memref<5x128x128xf32, #tpu.memory_space<vmem>> -> memref<1x128x128xf32, #tpu.memory_space<vmem>>
    %dma_start3A_55 = tpu.memref_squeeze %dma_start3A_54 : memref<1x128x128xf32, #tpu.memory_space<vmem>> -> memref<128x128xf32, #tpu.memory_space<vmem>>
    %dma_start3A_56 = arith.constant 0 : i32
    %dma_start3A_57 = tpu.memref_slice %arg5[%dma_start3A_49, %dma_start3A_56] : memref<200x128xi32, #tpu.memory_space<vmem>> -> memref<1x128xi32, #tpu.memory_space<vmem>>
    %dma_start3A_58 = tpu.memref_squeeze %dma_start3A_57 : memref<1x128xi32, #tpu.memory_space<vmem>> -> memref<128xi32, #tpu.memory_space<vmem>>
    %dma_start3A_59 = arith.constant 0 : i32
    %dma_start3A_60 = arith.constant 0 : i32
    %dma_start3A_61 = tpu.memref_slice %arg3[%dma_start3A_59, %dma_start3A_60] : memref<100000x128xf32, #tpu.memory_space<hbm>> -> memref<100000x128xf32, #tpu.memory_space<hbm>>
    %dma_start3A_62 = tpu.memref_slice %arg7[%dma_start3A_51] : memref<5x!tpu.dma_semaphore, #tpu.memory_space<semaphore_mem>> -> memref<1x!tpu.dma_semaphore, #tpu.memory_space<semaphore_mem>>
    %dma_start3A_63 = tpu.memref_squeeze %dma_start3A_62 : memref<1x!tpu.dma_semaphore, #tpu.memory_space<semaphore_mem>> -> memref<!tpu.dma_semaphore, #tpu.memory_space<semaphore_mem>>
    tpu.enqueue_indirect_dma source(%dma_start3A_61 : memref<100000x128xf32, #tpu.memory_space<hbm>>) target(%dma_start3A_55 : memref<128x128xf32, #tpu.memory_space<vmem>>) offsets(%dma_start3A_58 : memref<128xi32, #tpu.memory_space<vmem>>) semaphore(%dma_start3A_63 : memref<!tpu.dma_semaphore, #tpu.memory_space<semaphore_mem>>)
    %dma_start3A_64 = arith.constant 4 : i32
    %dma_start3A_65 = arith.constant 4 : i32
    %dma_start3A_66 = arith.constant 4 : i32
    %dma_start3A_67 = arith.constant 0 : i32
    %dma_start3A_68 = arith.constant 0 : i32
    %dma_start3A_69 = tpu.memref_slice %arg6[%dma_start3A_65, %dma_start3A_67, %dma_start3A_68] : memref<5x128x128xf32, #tpu.memory_space<vmem>> -> memref<1x128x128xf32, #tpu.memory_space<vmem>>
    %dma_start3A_70 = tpu.memref_squeeze %dma_start3A_69 : memref<1x128x128xf32, #tpu.memory_space<vmem>> -> memref<128x128xf32, #tpu.memory_space<vmem>>
    %dma_start3A_71 = arith.constant 0 : i32
    %dma_start3A_72 = tpu.memref_slice %arg5[%dma_start3A_64, %dma_start3A_71] : memref<200x128xi32, #tpu.memory_space<vmem>> -> memref<1x128xi32, #tpu.memory_space<vmem>>
    %dma_start3A_73 = tpu.memref_squeeze %dma_start3A_72 : memref<1x128xi32, #tpu.memory_space<vmem>> -> memref<128xi32, #tpu.memory_space<vmem>>
    %dma_start3A_74 = arith.constant 0 : i32
    %dma_start3A_75 = arith.constant 0 : i32
    %dma_start3A_76 = tpu.memref_slice %arg3[%dma_start3A_74, %dma_start3A_75] : memref<100000x128xf32, #tpu.memory_space<hbm>> -> memref<100000x128xf32, #tpu.memory_space<hbm>>
    %dma_start3A_77 = tpu.memref_slice %arg7[%dma_start3A_66] : memref<5x!tpu.dma_semaphore, #tpu.memory_space<semaphore_mem>> -> memref<1x!tpu.dma_semaphore, #tpu.memory_space<semaphore_mem>>
    %dma_start3A_78 = tpu.memref_squeeze %dma_start3A_77 : memref<1x!tpu.dma_semaphore, #tpu.memory_space<semaphore_mem>> -> memref<!tpu.dma_semaphore, #tpu.memory_space<semaphore_mem>>
    tpu.enqueue_indirect_dma source(%dma_start3A_76 : memref<100000x128xf32, #tpu.memory_space<hbm>>) target(%dma_start3A_70 : memref<128x128xf32, #tpu.memory_space<vmem>>) offsets(%dma_start3A_73 : memref<128xi32, #tpu.memory_space<vmem>>) semaphore(%dma_start3A_78 : memref<!tpu.dma_semaphore, #tpu.memory_space<semaphore_mem>>)
    %scan3A = arith.constant 0 : i32
    %scan3A_79 = arith.constant 0 : i32
    %scan3A_80 = arith.constant 39 : i32
    %scan3A_81 = arith.addi %scan3A_79, %scan3A_80 : i32
    %scan3A_82 = arith.constant 1 : i32
    scf.for %scan3A_338 = %scan3A_79 to %scan3A_81 step %scan3A_82  : i32 {
      %mul3A_339 = arith.constant 5 : i32
      %mul3A_340 = arith.muli %scan3A_338, %mul3A_339 : i32
      %add3A_341 = arith.constant 0 : i32
      %add3A_342 = arith.addi %mul3A_340, %add3A_341 : i32
      %mul3A_343 = arith.constant 1 : i32
      %mul3A_344 = arith.muli %add3A_342, %mul3A_343 : i32
      %add3A_345 = arith.constant 0 : i32
      %add3A_346 = arith.addi %mul3A_344, %add3A_345 : i32
      %dma_wait3A_347 = arith.constant 0 : i32
      %dma_wait3A_348 = arith.constant 0 : i32
      %dma_wait3A_349 = arith.constant 0 : i32
      %dma_wait3A_350 = arith.constant 0 : i32
      %dma_wait3A_351 = tpu.memref_slice %arg6[%dma_wait3A_347, %dma_wait3A_349, %dma_wait3A_350] : memref<5x128x128xf32, #tpu.memory_space<vmem>> -> memref<1x128x128xf32, #tpu.memory_space<vmem>>
      %dma_wait3A_352 = tpu.memref_squeeze %dma_wait3A_351 : memref<1x128x128xf32, #tpu.memory_space<vmem>> -> memref<128x128xf32, #tpu.memory_space<vmem>>
      %dma_wait3A_353 = arith.constant 0 : i32
      %dma_wait3A_354 = tpu.memref_slice %arg5[%add3A_346, %dma_wait3A_353] : memref<200x128xi32, #tpu.memory_space<vmem>> -> memref<1x128xi32, #tpu.memory_space<vmem>>
      %dma_wait3A_355 = tpu.memref_squeeze %dma_wait3A_354 : memref<1x128xi32, #tpu.memory_space<vmem>> -> memref<128xi32, #tpu.memory_space<vmem>>
      %dma_wait3A_356 = arith.constant 0 : i32
      %dma_wait3A_357 = arith.constant 0 : i32
      %dma_wait3A_358 = tpu.memref_slice %arg3[%dma_wait3A_356, %dma_wait3A_357] : memref<100000x128xf32, #tpu.memory_space<hbm>> -> memref<100000x128xf32, #tpu.memory_space<hbm>>
      %dma_wait3A_359 = tpu.memref_slice %arg7[%dma_wait3A_348] : memref<5x!tpu.dma_semaphore, #tpu.memory_space<semaphore_mem>> -> memref<1x!tpu.dma_semaphore, #tpu.memory_space<semaphore_mem>>
      %dma_wait3A_360 = tpu.memref_squeeze %dma_wait3A_359 : memref<1x!tpu.dma_semaphore, #tpu.memory_space<semaphore_mem>> -> memref<!tpu.dma_semaphore, #tpu.memory_space<semaphore_mem>>
      tpu.wait_indirect_dma semaphore(%dma_wait3A_360 : memref<!tpu.dma_semaphore, #tpu.memory_space<semaphore_mem>>) src(%dma_wait3A_358 : memref<100000x128xf32, #tpu.memory_space<hbm>>) dst(%dma_wait3A_352 : memref<128x128xf32, #tpu.memory_space<vmem>>)
      %add3A_361 = arith.constant 0 : i32
      %add3A_362 = arith.addi %mul3A_340, %add3A_361 : i32
      %mul3A_363 = arith.constant 1 : i32
      %mul3A_364 = arith.muli %add3A_362, %mul3A_363 : i32
      %mul3A_365 = arith.constant 128 : i32
      %mul3A_366 = arith.muli %mul3A_364, %mul3A_365 : i32
      %add3A_367 = arith.addi %mul3A_2, %mul3A_366 : i32
      %dma_start3A_368 = arith.constant 0 : i32
      %dma_start3A_369 = arith.constant 0 : i32
      %dma_start3A_370 = arith.constant 0 : i32
      %dma_start3A_371 = arith.constant 0 : i32
      %dma_start3A_372 = tpu.memref_slice %arg6[%dma_start3A_368, %dma_start3A_370, %dma_start3A_371] : memref<5x128x128xf32, #tpu.memory_space<vmem>> -> memref<1x128x128xf32, #tpu.memory_space<vmem>>
      %dma_start3A_373 = tpu.memref_squeeze %dma_start3A_372 : memref<1x128x128xf32, #tpu.memory_space<vmem>> -> memref<128x128xf32, #tpu.memory_space<vmem>>
      %dma_start3A_374 = arith.constant 0 : i32
      %dma_start3A_375 = tpu.memref_slice %arg4[%add3A_367, %dma_start3A_374] : memref<819200x128xf32, #tpu.memory_space<hbm>> -> memref<128x128xf32, #tpu.memory_space<hbm>>
      %dma_start3A_376 = tpu.memref_slice %arg8[%dma_start3A_369] : memref<5x!tpu.dma_semaphore, #tpu.memory_space<semaphore_mem>> -> memref<1x!tpu.dma_semaphore, #tpu.memory_space<semaphore_mem>>
      %dma_start3A_377 = tpu.memref_squeeze %dma_start3A_376 : memref<1x!tpu.dma_semaphore, #tpu.memory_space<semaphore_mem>> -> memref<!tpu.dma_semaphore, #tpu.memory_space<semaphore_mem>>
      %dma_start3A_378 = arith.constant 0 : i32
      %dma_start3A_379 = tpu.memref_slice %arg4[%add3A_367, %dma_start3A_378] : memref<819200x128xf32, #tpu.memory_space<hbm>> -> memref<128x128xf32, #tpu.memory_space<hbm>>
      %dma_start3A_380 = arith.constant 0 : i32
      %dma_start3A_381 = arith.constant 0 : i32
      %dma_start3A_382 = tpu.memref_slice %arg6[%dma_start3A_368, %dma_start3A_380, %dma_start3A_381] : memref<5x128x128xf32, #tpu.memory_space<vmem>> -> memref<1x128x128xf32, #tpu.memory_space<vmem>>
      %dma_start3A_383 = tpu.memref_squeeze %dma_start3A_382 : memref<1x128x128xf32, #tpu.memory_space<vmem>> -> memref<128x128xf32, #tpu.memory_space<vmem>>
      tpu.enqueue_dma source(%dma_start3A_383 : memref<128x128xf32, #tpu.memory_space<vmem>>) target(%dma_start3A_379 : memref<128x128xf32, #tpu.memory_space<hbm>>) target_semaphore(%dma_start3A_377 : memref<!tpu.dma_semaphore, #tpu.memory_space<semaphore_mem>>)
      %add3A_384 = arith.constant 1 : i32
      %add3A_385 = arith.addi %mul3A_340, %add3A_384 : i32
      %mul3A_386 = arith.constant 1 : i32
      %mul3A_387 = arith.muli %add3A_385, %mul3A_386 : i32
      %add3A_388 = arith.constant 0 : i32
      %add3A_389 = arith.addi %mul3A_387, %add3A_388 : i32
      %dma_wait3A_390 = arith.constant 1 : i32
      %dma_wait3A_391 = arith.constant 1 : i32
      %dma_wait3A_392 = arith.constant 0 : i32
      %dma_wait3A_393 = arith.constant 0 : i32
      %dma_wait3A_394 = tpu.memref_slice %arg6[%dma_wait3A_390, %dma_wait3A_392, %dma_wait3A_393] : memref<5x128x128xf32, #tpu.memory_space<vmem>> -> memref<1x128x128xf32, #tpu.memory_space<vmem>>
      %dma_wait3A_395 = tpu.memref_squeeze %dma_wait3A_394 : memref<1x128x128xf32, #tpu.memory_space<vmem>> -> memref<128x128xf32, #tpu.memory_space<vmem>>
      %dma_wait3A_396 = arith.constant 0 : i32
      %dma_wait3A_397 = tpu.memref_slice %arg5[%add3A_389, %dma_wait3A_396] : memref<200x128xi32, #tpu.memory_space<vmem>> -> memref<1x128xi32, #tpu.memory_space<vmem>>
      %dma_wait3A_398 = tpu.memref_squeeze %dma_wait3A_397 : memref<1x128xi32, #tpu.memory_space<vmem>> -> memref<128xi32, #tpu.memory_space<vmem>>
      %dma_wait3A_399 = arith.constant 0 : i32
      %dma_wait3A_400 = arith.constant 0 : i32
      %dma_wait3A_401 = tpu.memref_slice %arg3[%dma_wait3A_399, %dma_wait3A_400] : memref<100000x128xf32, #tpu.memory_space<hbm>> -> memref<100000x128xf32, #tpu.memory_space<hbm>>
      %dma_wait3A_402 = tpu.memref_slice %arg7[%dma_wait3A_391] : memref<5x!tpu.dma_semaphore, #tpu.memory_space<semaphore_mem>> -> memref<1x!tpu.dma_semaphore, #tpu.memory_space<semaphore_mem>>
      %dma_wait3A_403 = tpu.memref_squeeze %dma_wait3A_402 : memref<1x!tpu.dma_semaphore, #tpu.memory_space<semaphore_mem>> -> memref<!tpu.dma_semaphore, #tpu.memory_space<semaphore_mem>>
      tpu.wait_indirect_dma semaphore(%dma_wait3A_403 : memref<!tpu.dma_semaphore, #tpu.memory_space<semaphore_mem>>) src(%dma_wait3A_401 : memref<100000x128xf32, #tpu.memory_space<hbm>>) dst(%dma_wait3A_395 : memref<128x128xf32, #tpu.memory_space<vmem>>)
      %add3A_404 = arith.constant 1 : i32
      %add3A_405 = arith.addi %mul3A_340, %add3A_404 : i32
      %mul3A_406 = arith.constant 1 : i32
      %mul3A_407 = arith.muli %add3A_405, %mul3A_406 : i32
      %mul3A_408 = arith.constant 128 : i32
      %mul3A_409 = arith.muli %mul3A_407, %mul3A_408 : i32
      %add3A_410 = arith.addi %mul3A_2, %mul3A_409 : i32
      %dma_start3A_411 = arith.constant 1 : i32
      %dma_start3A_412 = arith.constant 1 : i32
      %dma_start3A_413 = arith.constant 0 : i32
      %dma_start3A_414 = arith.constant 0 : i32
      %dma_start3A_415 = tpu.memref_slice %arg6[%dma_start3A_411, %dma_start3A_413, %dma_start3A_414] : memref<5x128x128xf32, #tpu.memory_space<vmem>> -> memref<1x128x128xf32, #tpu.memory_space<vmem>>
      %dma_start3A_416 = tpu.memref_squeeze %dma_start3A_415 : memref<1x128x128xf32, #tpu.memory_space<vmem>> -> memref<128x128xf32, #tpu.memory_space<vmem>>
      %dma_start3A_417 = arith.constant 0 : i32
      %dma_start3A_418 = tpu.memref_slice %arg4[%add3A_410, %dma_start3A_417] : memref<819200x128xf32, #tpu.memory_space<hbm>> -> memref<128x128xf32, #tpu.memory_space<hbm>>
      %dma_start3A_419 = tpu.memref_slice %arg8[%dma_start3A_412] : memref<5x!tpu.dma_semaphore, #tpu.memory_space<semaphore_mem>> -> memref<1x!tpu.dma_semaphore, #tpu.memory_space<semaphore_mem>>
      %dma_start3A_420 = tpu.memref_squeeze %dma_start3A_419 : memref<1x!tpu.dma_semaphore, #tpu.memory_space<semaphore_mem>> -> memref<!tpu.dma_semaphore, #tpu.memory_space<semaphore_mem>>
      %dma_start3A_421 = arith.constant 0 : i32
      %dma_start3A_422 = tpu.memref_slice %arg4[%add3A_410, %dma_start3A_421] : memref<819200x128xf32, #tpu.memory_space<hbm>> -> memref<128x128xf32, #tpu.memory_space<hbm>>
      %dma_start3A_423 = arith.constant 0 : i32
      %dma_start3A_424 = arith.constant 0 : i32
      %dma_start3A_425 = tpu.memref_slice %arg6[%dma_start3A_411, %dma_start3A_423, %dma_start3A_424] : memref<5x128x128xf32, #tpu.memory_space<vmem>> -> memref<1x128x128xf32, #tpu.memory_space<vmem>>
      %dma_start3A_426 = tpu.memref_squeeze %dma_start3A_425 : memref<1x128x128xf32, #tpu.memory_space<vmem>> -> memref<128x128xf32, #tpu.memory_space<vmem>>
      tpu.enqueue_dma source(%dma_start3A_426 : memref<128x128xf32, #tpu.memory_space<vmem>>) target(%dma_start3A_422 : memref<128x128xf32, #tpu.memory_space<hbm>>) target_semaphore(%dma_start3A_420 : memref<!tpu.dma_semaphore, #tpu.memory_space<semaphore_mem>>)
      %add3A_427 = arith.constant 2 : i32
      %add3A_428 = arith.addi %mul3A_340, %add3A_427 : i32
      %mul3A_429 = arith.constant 1 : i32
      %mul3A_430 = arith.muli %add3A_428, %mul3A_429 : i32
      %add3A_431 = arith.constant 0 : i32
      %add3A_432 = arith.addi %mul3A_430, %add3A_431 : i32
      %dma_wait3A_433 = arith.constant 2 : i32
      %dma_wait3A_434 = arith.constant 2 : i32
      %dma_wait3A_435 = arith.constant 0 : i32
      %dma_wait3A_436 = arith.constant 0 : i32
      %dma_wait3A_437 = tpu.memref_slice %arg6[%dma_wait3A_433, %dma_wait3A_435, %dma_wait3A_436] : memref<5x128x128xf32, #tpu.memory_space<vmem>> -> memref<1x128x128xf32, #tpu.memory_space<vmem>>
      %dma_wait3A_438 = tpu.memref_squeeze %dma_wait3A_437 : memref<1x128x128xf32, #tpu.memory_space<vmem>> -> memref<128x128xf32, #tpu.memory_space<vmem>>
      %dma_wait3A_439 = arith.constant 0 : i32
      %dma_wait3A_440 = tpu.memref_slice %arg5[%add3A_432, %dma_wait3A_439] : memref<200x128xi32, #tpu.memory_space<vmem>> -> memref<1x128xi32, #tpu.memory_space<vmem>>
      %dma_wait3A_441 = tpu.memref_squeeze %dma_wait3A_440 : memref<1x128xi32, #tpu.memory_space<vmem>> -> memref<128xi32, #tpu.memory_space<vmem>>
      %dma_wait3A_442 = arith.constant 0 : i32
      %dma_wait3A_443 = arith.constant 0 : i32
      %dma_wait3A_444 = tpu.memref_slice %arg3[%dma_wait3A_442, %dma_wait3A_443] : memref<100000x128xf32, #tpu.memory_space<hbm>> -> memref<100000x128xf32, #tpu.memory_space<hbm>>
      %dma_wait3A_445 = tpu.memref_slice %arg7[%dma_wait3A_434] : memref<5x!tpu.dma_semaphore, #tpu.memory_space<semaphore_mem>> -> memref<1x!tpu.dma_semaphore, #tpu.memory_space<semaphore_mem>>
      %dma_wait3A_446 = tpu.memref_squeeze %dma_wait3A_445 : memref<1x!tpu.dma_semaphore, #tpu.memory_space<semaphore_mem>> -> memref<!tpu.dma_semaphore, #tpu.memory_space<semaphore_mem>>
      tpu.wait_indirect_dma semaphore(%dma_wait3A_446 : memref<!tpu.dma_semaphore, #tpu.memory_space<semaphore_mem>>) src(%dma_wait3A_444 : memref<100000x128xf32, #tpu.memory_space<hbm>>) dst(%dma_wait3A_438 : memref<128x128xf32, #tpu.memory_space<vmem>>)
      %add3A_447 = arith.constant 2 : i32
      %add3A_448 = arith.addi %mul3A_340, %add3A_447 : i32
      %mul3A_449 = arith.constant 1 : i32
      %mul3A_450 = arith.muli %add3A_448, %mul3A_449 : i32
      %mul3A_451 = arith.constant 128 : i32
      %mul3A_452 = arith.muli %mul3A_450, %mul3A_451 : i32
      %add3A_453 = arith.addi %mul3A_2, %mul3A_452 : i32
      %dma_start3A_454 = arith.constant 2 : i32
      %dma_start3A_455 = arith.constant 2 : i32
      %dma_start3A_456 = arith.constant 0 : i32
      %dma_start3A_457 = arith.constant 0 : i32
      %dma_start3A_458 = tpu.memref_slice %arg6[%dma_start3A_454, %dma_start3A_456, %dma_start3A_457] : memref<5x128x128xf32, #tpu.memory_space<vmem>> -> memref<1x128x128xf32, #tpu.memory_space<vmem>>
      %dma_start3A_459 = tpu.memref_squeeze %dma_start3A_458 : memref<1x128x128xf32, #tpu.memory_space<vmem>> -> memref<128x128xf32, #tpu.memory_space<vmem>>
      %dma_start3A_460 = arith.constant 0 : i32
      %dma_start3A_461 = tpu.memref_slice %arg4[%add3A_453, %dma_start3A_460] : memref<819200x128xf32, #tpu.memory_space<hbm>> -> memref<128x128xf32, #tpu.memory_space<hbm>>
      %dma_start3A_462 = tpu.memref_slice %arg8[%dma_start3A_455] : memref<5x!tpu.dma_semaphore, #tpu.memory_space<semaphore_mem>> -> memref<1x!tpu.dma_semaphore, #tpu.memory_space<semaphore_mem>>
      %dma_start3A_463 = tpu.memref_squeeze %dma_start3A_462 : memref<1x!tpu.dma_semaphore, #tpu.memory_space<semaphore_mem>> -> memref<!tpu.dma_semaphore, #tpu.memory_space<semaphore_mem>>
      %dma_start3A_464 = arith.constant 0 : i32
      %dma_start3A_465 = tpu.memref_slice %arg4[%add3A_453, %dma_start3A_464] : memref<819200x128xf32, #tpu.memory_space<hbm>> -> memref<128x128xf32, #tpu.memory_space<hbm>>
      %dma_start3A_466 = arith.constant 0 : i32
      %dma_start3A_467 = arith.constant 0 : i32
      %dma_start3A_468 = tpu.memref_slice %arg6[%dma_start3A_454, %dma_start3A_466, %dma_start3A_467] : memref<5x128x128xf32, #tpu.memory_space<vmem>> -> memref<1x128x128xf32, #tpu.memory_space<vmem>>
      %dma_start3A_469 = tpu.memref_squeeze %dma_start3A_468 : memref<1x128x128xf32, #tpu.memory_space<vmem>> -> memref<128x128xf32, #tpu.memory_space<vmem>>
      tpu.enqueue_dma source(%dma_start3A_469 : memref<128x128xf32, #tpu.memory_space<vmem>>) target(%dma_start3A_465 : memref<128x128xf32, #tpu.memory_space<hbm>>) target_semaphore(%dma_start3A_463 : memref<!tpu.dma_semaphore, #tpu.memory_space<semaphore_mem>>)
      %add3A_470 = arith.constant 3 : i32
      %add3A_471 = arith.addi %mul3A_340, %add3A_470 : i32
      %mul3A_472 = arith.constant 1 : i32
      %mul3A_473 = arith.muli %add3A_471, %mul3A_472 : i32
      %add3A_474 = arith.constant 0 : i32
      %add3A_475 = arith.addi %mul3A_473, %add3A_474 : i32
      %dma_wait3A_476 = arith.constant 3 : i32
      %dma_wait3A_477 = arith.constant 3 : i32
      %dma_wait3A_478 = arith.constant 0 : i32
      %dma_wait3A_479 = arith.constant 0 : i32
      %dma_wait3A_480 = tpu.memref_slice %arg6[%dma_wait3A_476, %dma_wait3A_478, %dma_wait3A_479] : memref<5x128x128xf32, #tpu.memory_space<vmem>> -> memref<1x128x128xf32, #tpu.memory_space<vmem>>
      %dma_wait3A_481 = tpu.memref_squeeze %dma_wait3A_480 : memref<1x128x128xf32, #tpu.memory_space<vmem>> -> memref<128x128xf32, #tpu.memory_space<vmem>>
      %dma_wait3A_482 = arith.constant 0 : i32
      %dma_wait3A_483 = tpu.memref_slice %arg5[%add3A_475, %dma_wait3A_482] : memref<200x128xi32, #tpu.memory_space<vmem>> -> memref<1x128xi32, #tpu.memory_space<vmem>>
      %dma_wait3A_484 = tpu.memref_squeeze %dma_wait3A_483 : memref<1x128xi32, #tpu.memory_space<vmem>> -> memref<128xi32, #tpu.memory_space<vmem>>
      %dma_wait3A_485 = arith.constant 0 : i32
      %dma_wait3A_486 = arith.constant 0 : i32
      %dma_wait3A_487 = tpu.memref_slice %arg3[%dma_wait3A_485, %dma_wait3A_486] : memref<100000x128xf32, #tpu.memory_space<hbm>> -> memref<100000x128xf32, #tpu.memory_space<hbm>>
      %dma_wait3A_488 = tpu.memref_slice %arg7[%dma_wait3A_477] : memref<5x!tpu.dma_semaphore, #tpu.memory_space<semaphore_mem>> -> memref<1x!tpu.dma_semaphore, #tpu.memory_space<semaphore_mem>>
      %dma_wait3A_489 = tpu.memref_squeeze %dma_wait3A_488 : memref<1x!tpu.dma_semaphore, #tpu.memory_space<semaphore_mem>> -> memref<!tpu.dma_semaphore, #tpu.memory_space<semaphore_mem>>
      tpu.wait_indirect_dma semaphore(%dma_wait3A_489 : memref<!tpu.dma_semaphore, #tpu.memory_space<semaphore_mem>>) src(%dma_wait3A_487 : memref<100000x128xf32, #tpu.memory_space<hbm>>) dst(%dma_wait3A_481 : memref<128x128xf32, #tpu.memory_space<vmem>>)
      %add3A_490 = arith.constant 3 : i32
      %add3A_491 = arith.addi %mul3A_340, %add3A_490 : i32
      %mul3A_492 = arith.constant 1 : i32
      %mul3A_493 = arith.muli %add3A_491, %mul3A_492 : i32
      %mul3A_494 = arith.constant 128 : i32
      %mul3A_495 = arith.muli %mul3A_493, %mul3A_494 : i32
      %add3A_496 = arith.addi %mul3A_2, %mul3A_495 : i32
      %dma_start3A_497 = arith.constant 3 : i32
      %dma_start3A_498 = arith.constant 3 : i32
      %dma_start3A_499 = arith.constant 0 : i32
      %dma_start3A_500 = arith.constant 0 : i32
      %dma_start3A_501 = tpu.memref_slice %arg6[%dma_start3A_497, %dma_start3A_499, %dma_start3A_500] : memref<5x128x128xf32, #tpu.memory_space<vmem>> -> memref<1x128x128xf32, #tpu.memory_space<vmem>>
      %dma_start3A_502 = tpu.memref_squeeze %dma_start3A_501 : memref<1x128x128xf32, #tpu.memory_space<vmem>> -> memref<128x128xf32, #tpu.memory_space<vmem>>
      %dma_start3A_503 = arith.constant 0 : i32
      %dma_start3A_504 = tpu.memref_slice %arg4[%add3A_496, %dma_start3A_503] : memref<819200x128xf32, #tpu.memory_space<hbm>> -> memref<128x128xf32, #tpu.memory_space<hbm>>
      %dma_start3A_505 = tpu.memref_slice %arg8[%dma_start3A_498] : memref<5x!tpu.dma_semaphore, #tpu.memory_space<semaphore_mem>> -> memref<1x!tpu.dma_semaphore, #tpu.memory_space<semaphore_mem>>
      %dma_start3A_506 = tpu.memref_squeeze %dma_start3A_505 : memref<1x!tpu.dma_semaphore, #tpu.memory_space<semaphore_mem>> -> memref<!tpu.dma_semaphore, #tpu.memory_space<semaphore_mem>>
      %dma_start3A_507 = arith.constant 0 : i32
      %dma_start3A_508 = tpu.memref_slice %arg4[%add3A_496, %dma_start3A_507] : memref<819200x128xf32, #tpu.memory_space<hbm>> -> memref<128x128xf32, #tpu.memory_space<hbm>>
      %dma_start3A_509 = arith.constant 0 : i32
      %dma_start3A_510 = arith.constant 0 : i32
      %dma_start3A_511 = tpu.memref_slice %arg6[%dma_start3A_497, %dma_start3A_509, %dma_start3A_510] : memref<5x128x128xf32, #tpu.memory_space<vmem>> -> memref<1x128x128xf32, #tpu.memory_space<vmem>>
      %dma_start3A_512 = tpu.memref_squeeze %dma_start3A_511 : memref<1x128x128xf32, #tpu.memory_space<vmem>> -> memref<128x128xf32, #tpu.memory_space<vmem>>
      tpu.enqueue_dma source(%dma_start3A_512 : memref<128x128xf32, #tpu.memory_space<vmem>>) target(%dma_start3A_508 : memref<128x128xf32, #tpu.memory_space<hbm>>) target_semaphore(%dma_start3A_506 : memref<!tpu.dma_semaphore, #tpu.memory_space<semaphore_mem>>)
      %add3A_513 = arith.constant 4 : i32
      %add3A_514 = arith.addi %mul3A_340, %add3A_513 : i32
      %mul3A_515 = arith.constant 1 : i32
      %mul3A_516 = arith.muli %add3A_514, %mul3A_515 : i32
      %add3A_517 = arith.constant 0 : i32
      %add3A_518 = arith.addi %mul3A_516, %add3A_517 : i32
      %dma_wait3A_519 = arith.constant 4 : i32
      %dma_wait3A_520 = arith.constant 4 : i32
      %dma_wait3A_521 = arith.constant 0 : i32
      %dma_wait3A_522 = arith.constant 0 : i32
      %dma_wait3A_523 = tpu.memref_slice %arg6[%dma_wait3A_519, %dma_wait3A_521, %dma_wait3A_522] : memref<5x128x128xf32, #tpu.memory_space<vmem>> -> memref<1x128x128xf32, #tpu.memory_space<vmem>>
      %dma_wait3A_524 = tpu.memref_squeeze %dma_wait3A_523 : memref<1x128x128xf32, #tpu.memory_space<vmem>> -> memref<128x128xf32, #tpu.memory_space<vmem>>
      %dma_wait3A_525 = arith.constant 0 : i32
      %dma_wait3A_526 = tpu.memref_slice %arg5[%add3A_518, %dma_wait3A_525] : memref<200x128xi32, #tpu.memory_space<vmem>> -> memref<1x128xi32, #tpu.memory_space<vmem>>
      %dma_wait3A_527 = tpu.memref_squeeze %dma_wait3A_526 : memref<1x128xi32, #tpu.memory_space<vmem>> -> memref<128xi32, #tpu.memory_space<vmem>>
      %dma_wait3A_528 = arith.constant 0 : i32
      %dma_wait3A_529 = arith.constant 0 : i32
      %dma_wait3A_530 = tpu.memref_slice %arg3[%dma_wait3A_528, %dma_wait3A_529] : memref<100000x128xf32, #tpu.memory_space<hbm>> -> memref<100000x128xf32, #tpu.memory_space<hbm>>
      %dma_wait3A_531 = tpu.memref_slice %arg7[%dma_wait3A_520] : memref<5x!tpu.dma_semaphore, #tpu.memory_space<semaphore_mem>> -> memref<1x!tpu.dma_semaphore, #tpu.memory_space<semaphore_mem>>
      %dma_wait3A_532 = tpu.memref_squeeze %dma_wait3A_531 : memref<1x!tpu.dma_semaphore, #tpu.memory_space<semaphore_mem>> -> memref<!tpu.dma_semaphore, #tpu.memory_space<semaphore_mem>>
      tpu.wait_indirect_dma semaphore(%dma_wait3A_532 : memref<!tpu.dma_semaphore, #tpu.memory_space<semaphore_mem>>) src(%dma_wait3A_530 : memref<100000x128xf32, #tpu.memory_space<hbm>>) dst(%dma_wait3A_524 : memref<128x128xf32, #tpu.memory_space<vmem>>)
      %add3A_533 = arith.constant 4 : i32
      %add3A_534 = arith.addi %mul3A_340, %add3A_533 : i32
      %mul3A_535 = arith.constant 1 : i32
      %mul3A_536 = arith.muli %add3A_534, %mul3A_535 : i32
      %mul3A_537 = arith.constant 128 : i32
      %mul3A_538 = arith.muli %mul3A_536, %mul3A_537 : i32
      %add3A_539 = arith.addi %mul3A_2, %mul3A_538 : i32
      %dma_start3A_540 = arith.constant 4 : i32
      %dma_start3A_541 = arith.constant 4 : i32
      %dma_start3A_542 = arith.constant 0 : i32
      %dma_start3A_543 = arith.constant 0 : i32
      %dma_start3A_544 = tpu.memref_slice %arg6[%dma_start3A_540, %dma_start3A_542, %dma_start3A_543] : memref<5x128x128xf32, #tpu.memory_space<vmem>> -> memref<1x128x128xf32, #tpu.memory_space<vmem>>
      %dma_start3A_545 = tpu.memref_squeeze %dma_start3A_544 : memref<1x128x128xf32, #tpu.memory_space<vmem>> -> memref<128x128xf32, #tpu.memory_space<vmem>>
      %dma_start3A_546 = arith.constant 0 : i32
      %dma_start3A_547 = tpu.memref_slice %arg4[%add3A_539, %dma_start3A_546] : memref<819200x128xf32, #tpu.memory_space<hbm>> -> memref<128x128xf32, #tpu.memory_space<hbm>>
      %dma_start3A_548 = tpu.memref_slice %arg8[%dma_start3A_541] : memref<5x!tpu.dma_semaphore, #tpu.memory_space<semaphore_mem>> -> memref<1x!tpu.dma_semaphore, #tpu.memory_space<semaphore_mem>>
      %dma_start3A_549 = tpu.memref_squeeze %dma_start3A_548 : memref<1x!tpu.dma_semaphore, #tpu.memory_space<semaphore_mem>> -> memref<!tpu.dma_semaphore, #tpu.memory_space<semaphore_mem>>
      %dma_start3A_550 = arith.constant 0 : i32
      %dma_start3A_551 = tpu.memref_slice %arg4[%add3A_539, %dma_start3A_550] : memref<819200x128xf32, #tpu.memory_space<hbm>> -> memref<128x128xf32, #tpu.memory_space<hbm>>
      %dma_start3A_552 = arith.constant 0 : i32
      %dma_start3A_553 = arith.constant 0 : i32
      %dma_start3A_554 = tpu.memref_slice %arg6[%dma_start3A_540, %dma_start3A_552, %dma_start3A_553] : memref<5x128x128xf32, #tpu.memory_space<vmem>> -> memref<1x128x128xf32, #tpu.memory_space<vmem>>
      %dma_start3A_555 = tpu.memref_squeeze %dma_start3A_554 : memref<1x128x128xf32, #tpu.memory_space<vmem>> -> memref<128x128xf32, #tpu.memory_space<vmem>>
      tpu.enqueue_dma source(%dma_start3A_555 : memref<128x128xf32, #tpu.memory_space<vmem>>) target(%dma_start3A_551 : memref<128x128xf32, #tpu.memory_space<hbm>>) target_semaphore(%dma_start3A_549 : memref<!tpu.dma_semaphore, #tpu.memory_space<semaphore_mem>>)
      %add3A_556 = arith.constant 0 : i32
      %add3A_557 = arith.addi %mul3A_340, %add3A_556 : i32
      %mul3A_558 = arith.constant 1 : i32
      %mul3A_559 = arith.muli %add3A_557, %mul3A_558 : i32
      %mul3A_560 = arith.constant 128 : i32
      %mul3A_561 = arith.muli %mul3A_559, %mul3A_560 : i32
      %add3A_562 = arith.addi %mul3A_2, %mul3A_561 : i32
      %dma_wait3A_563 = arith.constant 0 : i32
      %dma_wait3A_564 = arith.constant 0 : i32
      %dma_wait3A_565 = arith.constant 0 : i32
      %dma_wait3A_566 = arith.constant 0 : i32
      %dma_wait3A_567 = tpu.memref_slice %arg6[%dma_wait3A_563, %dma_wait3A_565, %dma_wait3A_566] : memref<5x128x128xf32, #tpu.memory_space<vmem>> -> memref<1x128x128xf32, #tpu.memory_space<vmem>>
      %dma_wait3A_568 = tpu.memref_squeeze %dma_wait3A_567 : memref<1x128x128xf32, #tpu.memory_space<vmem>> -> memref<128x128xf32, #tpu.memory_space<vmem>>
      %dma_wait3A_569 = arith.constant 0 : i32
      %dma_wait3A_570 = tpu.memref_slice %arg4[%add3A_562, %dma_wait3A_569] : memref<819200x128xf32, #tpu.memory_space<hbm>> -> memref<128x128xf32, #tpu.memory_space<hbm>>
      %dma_wait3A_571 = tpu.memref_slice %arg8[%dma_wait3A_564] : memref<5x!tpu.dma_semaphore, #tpu.memory_space<semaphore_mem>> -> memref<1x!tpu.dma_semaphore, #tpu.memory_space<semaphore_mem>>
      %dma_wait3A_572 = tpu.memref_squeeze %dma_wait3A_571 : memref<1x!tpu.dma_semaphore, #tpu.memory_space<semaphore_mem>> -> memref<!tpu.dma_semaphore, #tpu.memory_space<semaphore_mem>>
      %dma_wait3A_573 = arith.constant 0 : i32
      %dma_wait3A_574 = tpu.memref_slice %arg4[%add3A_562, %dma_wait3A_573] : memref<819200x128xf32, #tpu.memory_space<hbm>> -> memref<128x128xf32, #tpu.memory_space<hbm>>
      %dma_wait3A_575 = arith.constant 0 : i32
      %dma_wait3A_576 = arith.constant 0 : i32
      %dma_wait3A_577 = tpu.memref_slice %arg6[%dma_wait3A_563, %dma_wait3A_575, %dma_wait3A_576] : memref<5x128x128xf32, #tpu.memory_space<vmem>> -> memref<1x128x128xf32, #tpu.memory_space<vmem>>
      %dma_wait3A_578 = tpu.memref_squeeze %dma_wait3A_577 : memref<1x128x128xf32, #tpu.memory_space<vmem>> -> memref<128x128xf32, #tpu.memory_space<vmem>>
      tpu.wait_dma2 semaphore(%dma_wait3A_572 : memref<!tpu.dma_semaphore, #tpu.memory_space<semaphore_mem>>) src(%dma_wait3A_578 : memref<128x128xf32, #tpu.memory_space<vmem>>) dst(%dma_wait3A_574 : memref<128x128xf32, #tpu.memory_space<hbm>>)
      %add3A_579 = arith.constant 0 : i32
      %add3A_580 = arith.addi %mul3A_340, %add3A_579 : i32
      %add3A_581 = arith.constant 5 : i32
      %add3A_582 = arith.addi %add3A_580, %add3A_581 : i32
      %mul3A_583 = arith.constant 1 : i32
      %mul3A_584 = arith.muli %add3A_582, %mul3A_583 : i32
      %add3A_585 = arith.constant 0 : i32
      %add3A_586 = arith.addi %mul3A_584, %add3A_585 : i32
      %dma_start3A_587 = arith.constant 0 : i32
      %dma_start3A_588 = arith.constant 0 : i32
      %dma_start3A_589 = arith.constant 0 : i32
      %dma_start3A_590 = arith.constant 0 : i32
      %dma_start3A_591 = tpu.memref_slice %arg6[%dma_start3A_587, %dma_start3A_589, %dma_start3A_590] : memref<5x128x128xf32, #tpu.memory_space<vmem>> -> memref<1x128x128xf32, #tpu.memory_space<vmem>>
      %dma_start3A_592 = tpu.memref_squeeze %dma_start3A_591 : memref<1x128x128xf32, #tpu.memory_space<vmem>> -> memref<128x128xf32, #tpu.memory_space<vmem>>
      %dma_start3A_593 = arith.constant 0 : i32
      %dma_start3A_594 = tpu.memref_slice %arg5[%add3A_586, %dma_start3A_593] : memref<200x128xi32, #tpu.memory_space<vmem>> -> memref<1x128xi32, #tpu.memory_space<vmem>>
      %dma_start3A_595 = tpu.memref_squeeze %dma_start3A_594 : memref<1x128xi32, #tpu.memory_space<vmem>> -> memref<128xi32, #tpu.memory_space<vmem>>
      %dma_start3A_596 = arith.constant 0 : i32
      %dma_start3A_597 = arith.constant 0 : i32
      %dma_start3A_598 = tpu.memref_slice %arg3[%dma_start3A_596, %dma_start3A_597] : memref<100000x128xf32, #tpu.memory_space<hbm>> -> memref<100000x128xf32, #tpu.memory_space<hbm>>
      %dma_start3A_599 = tpu.memref_slice %arg7[%dma_start3A_588] : memref<5x!tpu.dma_semaphore, #tpu.memory_space<semaphore_mem>> -> memref<1x!tpu.dma_semaphore, #tpu.memory_space<semaphore_mem>>
      %dma_start3A_600 = tpu.memref_squeeze %dma_start3A_599 : memref<1x!tpu.dma_semaphore, #tpu.memory_space<semaphore_mem>> -> memref<!tpu.dma_semaphore, #tpu.memory_space<semaphore_mem>>
      tpu.enqueue_indirect_dma source(%dma_start3A_598 : memref<100000x128xf32, #tpu.memory_space<hbm>>) target(%dma_start3A_592 : memref<128x128xf32, #tpu.memory_space<vmem>>) offsets(%dma_start3A_595 : memref<128xi32, #tpu.memory_space<vmem>>) semaphore(%dma_start3A_600 : memref<!tpu.dma_semaphore, #tpu.memory_space<semaphore_mem>>)
      %add3A_601 = arith.constant 1 : i32
      %add3A_602 = arith.addi %mul3A_340, %add3A_601 : i32
      %mul3A_603 = arith.constant 1 : i32
      %mul3A_604 = arith.muli %add3A_602, %mul3A_603 : i32
      %mul3A_605 = arith.constant 128 : i32
      %mul3A_606 = arith.muli %mul3A_604, %mul3A_605 : i32
      %add3A_607 = arith.addi %mul3A_2, %mul3A_606 : i32
      %dma_wait3A_608 = arith.constant 1 : i32
      %dma_wait3A_609 = arith.constant 1 : i32
      %dma_wait3A_610 = arith.constant 0 : i32
      %dma_wait3A_611 = arith.constant 0 : i32
      %dma_wait3A_612 = tpu.memref_slice %arg6[%dma_wait3A_608, %dma_wait3A_610, %dma_wait3A_611] : memref<5x128x128xf32, #tpu.memory_space<vmem>> -> memref<1x128x128xf32, #tpu.memory_space<vmem>>
      %dma_wait3A_613 = tpu.memref_squeeze %dma_wait3A_612 : memref<1x128x128xf32, #tpu.memory_space<vmem>> -> memref<128x128xf32, #tpu.memory_space<vmem>>
      %dma_wait3A_614 = arith.constant 0 : i32
      %dma_wait3A_615 = tpu.memref_slice %arg4[%add3A_607, %dma_wait3A_614] : memref<819200x128xf32, #tpu.memory_space<hbm>> -> memref<128x128xf32, #tpu.memory_space<hbm>>
      %dma_wait3A_616 = tpu.memref_slice %arg8[%dma_wait3A_609] : memref<5x!tpu.dma_semaphore, #tpu.memory_space<semaphore_mem>> -> memref<1x!tpu.dma_semaphore, #tpu.memory_space<semaphore_mem>>
      %dma_wait3A_617 = tpu.memref_squeeze %dma_wait3A_616 : memref<1x!tpu.dma_semaphore, #tpu.memory_space<semaphore_mem>> -> memref<!tpu.dma_semaphore, #tpu.memory_space<semaphore_mem>>
      %dma_wait3A_618 = arith.constant 0 : i32
      %dma_wait3A_619 = tpu.memref_slice %arg4[%add3A_607, %dma_wait3A_618] : memref<819200x128xf32, #tpu.memory_space<hbm>> -> memref<128x128xf32, #tpu.memory_space<hbm>>
      %dma_wait3A_620 = arith.constant 0 : i32
      %dma_wait3A_621 = arith.constant 0 : i32
      %dma_wait3A_622 = tpu.memref_slice %arg6[%dma_wait3A_608, %dma_wait3A_620, %dma_wait3A_621] : memref<5x128x128xf32, #tpu.memory_space<vmem>> -> memref<1x128x128xf32, #tpu.memory_space<vmem>>
      %dma_wait3A_623 = tpu.memref_squeeze %dma_wait3A_622 : memref<1x128x128xf32, #tpu.memory_space<vmem>> -> memref<128x128xf32, #tpu.memory_space<vmem>>
      tpu.wait_dma2 semaphore(%dma_wait3A_617 : memref<!tpu.dma_semaphore, #tpu.memory_space<semaphore_mem>>) src(%dma_wait3A_623 : memref<128x128xf32, #tpu.memory_space<vmem>>) dst(%dma_wait3A_619 : memref<128x128xf32, #tpu.memory_space<hbm>>)
      %add3A_624 = arith.constant 1 : i32
      %add3A_625 = arith.addi %mul3A_340, %add3A_624 : i32
      %add3A_626 = arith.constant 5 : i32
      %add3A_627 = arith.addi %add3A_625, %add3A_626 : i32
      %mul3A_628 = arith.constant 1 : i32
      %mul3A_629 = arith.muli %add3A_627, %mul3A_628 : i32
      %add3A_630 = arith.constant 0 : i32
      %add3A_631 = arith.addi %mul3A_629, %add3A_630 : i32
      %dma_start3A_632 = arith.constant 1 : i32
      %dma_start3A_633 = arith.constant 1 : i32
      %dma_start3A_634 = arith.constant 0 : i32
      %dma_start3A_635 = arith.constant 0 : i32
      %dma_start3A_636 = tpu.memref_slice %arg6[%dma_start3A_632, %dma_start3A_634, %dma_start3A_635] : memref<5x128x128xf32, #tpu.memory_space<vmem>> -> memref<1x128x128xf32, #tpu.memory_space<vmem>>
      %dma_start3A_637 = tpu.memref_squeeze %dma_start3A_636 : memref<1x128x128xf32, #tpu.memory_space<vmem>> -> memref<128x128xf32, #tpu.memory_space<vmem>>
      %dma_start3A_638 = arith.constant 0 : i32
      %dma_start3A_639 = tpu.memref_slice %arg5[%add3A_631, %dma_start3A_638] : memref<200x128xi32, #tpu.memory_space<vmem>> -> memref<1x128xi32, #tpu.memory_space<vmem>>
      %dma_start3A_640 = tpu.memref_squeeze %dma_start3A_639 : memref<1x128xi32, #tpu.memory_space<vmem>> -> memref<128xi32, #tpu.memory_space<vmem>>
      %dma_start3A_641 = arith.constant 0 : i32
      %dma_start3A_642 = arith.constant 0 : i32
      %dma_start3A_643 = tpu.memref_slice %arg3[%dma_start3A_641, %dma_start3A_642] : memref<100000x128xf32, #tpu.memory_space<hbm>> -> memref<100000x128xf32, #tpu.memory_space<hbm>>
      %dma_start3A_644 = tpu.memref_slice %arg7[%dma_start3A_633] : memref<5x!tpu.dma_semaphore, #tpu.memory_space<semaphore_mem>> -> memref<1x!tpu.dma_semaphore, #tpu.memory_space<semaphore_mem>>
      %dma_start3A_645 = tpu.memref_squeeze %dma_start3A_644 : memref<1x!tpu.dma_semaphore, #tpu.memory_space<semaphore_mem>> -> memref<!tpu.dma_semaphore, #tpu.memory_space<semaphore_mem>>
      tpu.enqueue_indirect_dma source(%dma_start3A_643 : memref<100000x128xf32, #tpu.memory_space<hbm>>) target(%dma_start3A_637 : memref<128x128xf32, #tpu.memory_space<vmem>>) offsets(%dma_start3A_640 : memref<128xi32, #tpu.memory_space<vmem>>) semaphore(%dma_start3A_645 : memref<!tpu.dma_semaphore, #tpu.memory_space<semaphore_mem>>)
      %add3A_646 = arith.constant 2 : i32
      %add3A_647 = arith.addi %mul3A_340, %add3A_646 : i32
      %mul3A_648 = arith.constant 1 : i32
      %mul3A_649 = arith.muli %add3A_647, %mul3A_648 : i32
      %mul3A_650 = arith.constant 128 : i32
      %mul3A_651 = arith.muli %mul3A_649, %mul3A_650 : i32
      %add3A_652 = arith.addi %mul3A_2, %mul3A_651 : i32
      %dma_wait3A_653 = arith.constant 2 : i32
      %dma_wait3A_654 = arith.constant 2 : i32
      %dma_wait3A_655 = arith.constant 0 : i32
      %dma_wait3A_656 = arith.constant 0 : i32
      %dma_wait3A_657 = tpu.memref_slice %arg6[%dma_wait3A_653, %dma_wait3A_655, %dma_wait3A_656] : memref<5x128x128xf32, #tpu.memory_space<vmem>> -> memref<1x128x128xf32, #tpu.memory_space<vmem>>
      %dma_wait3A_658 = tpu.memref_squeeze %dma_wait3A_657 : memref<1x128x128xf32, #tpu.memory_space<vmem>> -> memref<128x128xf32, #tpu.memory_space<vmem>>
      %dma_wait3A_659 = arith.constant 0 : i32
      %dma_wait3A_660 = tpu.memref_slice %arg4[%add3A_652, %dma_wait3A_659] : memref<819200x128xf32, #tpu.memory_space<hbm>> -> memref<128x128xf32, #tpu.memory_space<hbm>>
      %dma_wait3A_661 = tpu.memref_slice %arg8[%dma_wait3A_654] : memref<5x!tpu.dma_semaphore, #tpu.memory_space<semaphore_mem>> -> memref<1x!tpu.dma_semaphore, #tpu.memory_space<semaphore_mem>>
      %dma_wait3A_662 = tpu.memref_squeeze %dma_wait3A_661 : memref<1x!tpu.dma_semaphore, #tpu.memory_space<semaphore_mem>> -> memref<!tpu.dma_semaphore, #tpu.memory_space<semaphore_mem>>
      %dma_wait3A_663 = arith.constant 0 : i32
      %dma_wait3A_664 = tpu.memref_slice %arg4[%add3A_652, %dma_wait3A_663] : memref<819200x128xf32, #tpu.memory_space<hbm>> -> memref<128x128xf32, #tpu.memory_space<hbm>>
      %dma_wait3A_665 = arith.constant 0 : i32
      %dma_wait3A_666 = arith.constant 0 : i32
      %dma_wait3A_667 = tpu.memref_slice %arg6[%dma_wait3A_653, %dma_wait3A_665, %dma_wait3A_666] : memref<5x128x128xf32, #tpu.memory_space<vmem>> -> memref<1x128x128xf32, #tpu.memory_space<vmem>>
      %dma_wait3A_668 = tpu.memref_squeeze %dma_wait3A_667 : memref<1x128x128xf32, #tpu.memory_space<vmem>> -> memref<128x128xf32, #tpu.memory_space<vmem>>
      tpu.wait_dma2 semaphore(%dma_wait3A_662 : memref<!tpu.dma_semaphore, #tpu.memory_space<semaphore_mem>>) src(%dma_wait3A_668 : memref<128x128xf32, #tpu.memory_space<vmem>>) dst(%dma_wait3A_664 : memref<128x128xf32, #tpu.memory_space<hbm>>)
      %add3A_669 = arith.constant 2 : i32
      %add3A_670 = arith.addi %mul3A_340, %add3A_669 : i32
      %add3A_671 = arith.constant 5 : i32
      %add3A_672 = arith.addi %add3A_670, %add3A_671 : i32
      %mul3A_673 = arith.constant 1 : i32
      %mul3A_674 = arith.muli %add3A_672, %mul3A_673 : i32
      %add3A_675 = arith.constant 0 : i32
      %add3A_676 = arith.addi %mul3A_674, %add3A_675 : i32
      %dma_start3A_677 = arith.constant 2 : i32
      %dma_start3A_678 = arith.constant 2 : i32
      %dma_start3A_679 = arith.constant 0 : i32
      %dma_start3A_680 = arith.constant 0 : i32
      %dma_start3A_681 = tpu.memref_slice %arg6[%dma_start3A_677, %dma_start3A_679, %dma_start3A_680] : memref<5x128x128xf32, #tpu.memory_space<vmem>> -> memref<1x128x128xf32, #tpu.memory_space<vmem>>
      %dma_start3A_682 = tpu.memref_squeeze %dma_start3A_681 : memref<1x128x128xf32, #tpu.memory_space<vmem>> -> memref<128x128xf32, #tpu.memory_space<vmem>>
      %dma_start3A_683 = arith.constant 0 : i32
      %dma_start3A_684 = tpu.memref_slice %arg5[%add3A_676, %dma_start3A_683] : memref<200x128xi32, #tpu.memory_space<vmem>> -> memref<1x128xi32, #tpu.memory_space<vmem>>
      %dma_start3A_685 = tpu.memref_squeeze %dma_start3A_684 : memref<1x128xi32, #tpu.memory_space<vmem>> -> memref<128xi32, #tpu.memory_space<vmem>>
      %dma_start3A_686 = arith.constant 0 : i32
      %dma_start3A_687 = arith.constant 0 : i32
      %dma_start3A_688 = tpu.memref_slice %arg3[%dma_start3A_686, %dma_start3A_687] : memref<100000x128xf32, #tpu.memory_space<hbm>> -> memref<100000x128xf32, #tpu.memory_space<hbm>>
      %dma_start3A_689 = tpu.memref_slice %arg7[%dma_start3A_678] : memref<5x!tpu.dma_semaphore, #tpu.memory_space<semaphore_mem>> -> memref<1x!tpu.dma_semaphore, #tpu.memory_space<semaphore_mem>>
      %dma_start3A_690 = tpu.memref_squeeze %dma_start3A_689 : memref<1x!tpu.dma_semaphore, #tpu.memory_space<semaphore_mem>> -> memref<!tpu.dma_semaphore, #tpu.memory_space<semaphore_mem>>
      tpu.enqueue_indirect_dma source(%dma_start3A_688 : memref<100000x128xf32, #tpu.memory_space<hbm>>) target(%dma_start3A_682 : memref<128x128xf32, #tpu.memory_space<vmem>>) offsets(%dma_start3A_685 : memref<128xi32, #tpu.memory_space<vmem>>) semaphore(%dma_start3A_690 : memref<!tpu.dma_semaphore, #tpu.memory_space<semaphore_mem>>)
      %add3A_691 = arith.constant 3 : i32
      %add3A_692 = arith.addi %mul3A_340, %add3A_691 : i32
      %mul3A_693 = arith.constant 1 : i32
      %mul3A_694 = arith.muli %add3A_692, %mul3A_693 : i32
      %mul3A_695 = arith.constant 128 : i32
      %mul3A_696 = arith.muli %mul3A_694, %mul3A_695 : i32
      %add3A_697 = arith.addi %mul3A_2, %mul3A_696 : i32
      %dma_wait3A_698 = arith.constant 3 : i32
      %dma_wait3A_699 = arith.constant 3 : i32
      %dma_wait3A_700 = arith.constant 0 : i32
      %dma_wait3A_701 = arith.constant 0 : i32
      %dma_wait3A_702 = tpu.memref_slice %arg6[%dma_wait3A_698, %dma_wait3A_700, %dma_wait3A_701] : memref<5x128x128xf32, #tpu.memory_space<vmem>> -> memref<1x128x128xf32, #tpu.memory_space<vmem>>
      %dma_wait3A_703 = tpu.memref_squeeze %dma_wait3A_702 : memref<1x128x128xf32, #tpu.memory_space<vmem>> -> memref<128x128xf32, #tpu.memory_space<vmem>>
      %dma_wait3A_704 = arith.constant 0 : i32
      %dma_wait3A_705 = tpu.memref_slice %arg4[%add3A_697, %dma_wait3A_704] : memref<819200x128xf32, #tpu.memory_space<hbm>> -> memref<128x128xf32, #tpu.memory_space<hbm>>
      %dma_wait3A_706 = tpu.memref_slice %arg8[%dma_wait3A_699] : memref<5x!tpu.dma_semaphore, #tpu.memory_space<semaphore_mem>> -> memref<1x!tpu.dma_semaphore, #tpu.memory_space<semaphore_mem>>
      %dma_wait3A_707 = tpu.memref_squeeze %dma_wait3A_706 : memref<1x!tpu.dma_semaphore, #tpu.memory_space<semaphore_mem>> -> memref<!tpu.dma_semaphore, #tpu.memory_space<semaphore_mem>>
      %dma_wait3A_708 = arith.constant 0 : i32
      %dma_wait3A_709 = tpu.memref_slice %arg4[%add3A_697, %dma_wait3A_708] : memref<819200x128xf32, #tpu.memory_space<hbm>> -> memref<128x128xf32, #tpu.memory_space<hbm>>
      %dma_wait3A_710 = arith.constant 0 : i32
      %dma_wait3A_711 = arith.constant 0 : i32
      %dma_wait3A_712 = tpu.memref_slice %arg6[%dma_wait3A_698, %dma_wait3A_710, %dma_wait3A_711] : memref<5x128x128xf32, #tpu.memory_space<vmem>> -> memref<1x128x128xf32, #tpu.memory_space<vmem>>
      %dma_wait3A_713 = tpu.memref_squeeze %dma_wait3A_712 : memref<1x128x128xf32, #tpu.memory_space<vmem>> -> memref<128x128xf32, #tpu.memory_space<vmem>>
      tpu.wait_dma2 semaphore(%dma_wait3A_707 : memref<!tpu.dma_semaphore, #tpu.memory_space<semaphore_mem>>) src(%dma_wait3A_713 : memref<128x128xf32, #tpu.memory_space<vmem>>) dst(%dma_wait3A_709 : memref<128x128xf32, #tpu.memory_space<hbm>>)
      %add3A_714 = arith.constant 3 : i32
      %add3A_715 = arith.addi %mul3A_340, %add3A_714 : i32
      %add3A_716 = arith.constant 5 : i32
      %add3A_717 = arith.addi %add3A_715, %add3A_716 : i32
      %mul3A_718 = arith.constant 1 : i32
      %mul3A_719 = arith.muli %add3A_717, %mul3A_718 : i32
      %add3A_720 = arith.constant 0 : i32
      %add3A_721 = arith.addi %mul3A_719, %add3A_720 : i32
      %dma_start3A_722 = arith.constant 3 : i32
      %dma_start3A_723 = arith.constant 3 : i32
      %dma_start3A_724 = arith.constant 0 : i32
      %dma_start3A_725 = arith.constant 0 : i32
      %dma_start3A_726 = tpu.memref_slice %arg6[%dma_start3A_722, %dma_start3A_724, %dma_start3A_725] : memref<5x128x128xf32, #tpu.memory_space<vmem>> -> memref<1x128x128xf32, #tpu.memory_space<vmem>>
      %dma_start3A_727 = tpu.memref_squeeze %dma_start3A_726 : memref<1x128x128xf32, #tpu.memory_space<vmem>> -> memref<128x128xf32, #tpu.memory_space<vmem>>
      %dma_start3A_728 = arith.constant 0 : i32
      %dma_start3A_729 = tpu.memref_slice %arg5[%add3A_721, %dma_start3A_728] : memref<200x128xi32, #tpu.memory_space<vmem>> -> memref<1x128xi32, #tpu.memory_space<vmem>>
      %dma_start3A_730 = tpu.memref_squeeze %dma_start3A_729 : memref<1x128xi32, #tpu.memory_space<vmem>> -> memref<128xi32, #tpu.memory_space<vmem>>
      %dma_start3A_731 = arith.constant 0 : i32
      %dma_start3A_732 = arith.constant 0 : i32
      %dma_start3A_733 = tpu.memref_slice %arg3[%dma_start3A_731, %dma_start3A_732] : memref<100000x128xf32, #tpu.memory_space<hbm>> -> memref<100000x128xf32, #tpu.memory_space<hbm>>
      %dma_start3A_734 = tpu.memref_slice %arg7[%dma_start3A_723] : memref<5x!tpu.dma_semaphore, #tpu.memory_space<semaphore_mem>> -> memref<1x!tpu.dma_semaphore, #tpu.memory_space<semaphore_mem>>
      %dma_start3A_735 = tpu.memref_squeeze %dma_start3A_734 : memref<1x!tpu.dma_semaphore, #tpu.memory_space<semaphore_mem>> -> memref<!tpu.dma_semaphore, #tpu.memory_space<semaphore_mem>>
      tpu.enqueue_indirect_dma source(%dma_start3A_733 : memref<100000x128xf32, #tpu.memory_space<hbm>>) target(%dma_start3A_727 : memref<128x128xf32, #tpu.memory_space<vmem>>) offsets(%dma_start3A_730 : memref<128xi32, #tpu.memory_space<vmem>>) semaphore(%dma_start3A_735 : memref<!tpu.dma_semaphore, #tpu.memory_space<semaphore_mem>>)
      %add3A_736 = arith.constant 4 : i32
      %add3A_737 = arith.addi %mul3A_340, %add3A_736 : i32
      %mul3A_738 = arith.constant 1 : i32
      %mul3A_739 = arith.muli %add3A_737, %mul3A_738 : i32
      %mul3A_740 = arith.constant 128 : i32
      %mul3A_741 = arith.muli %mul3A_739, %mul3A_740 : i32
      %add3A_742 = arith.addi %mul3A_2, %mul3A_741 : i32
      %dma_wait3A_743 = arith.constant 4 : i32
      %dma_wait3A_744 = arith.constant 4 : i32
      %dma_wait3A_745 = arith.constant 0 : i32
      %dma_wait3A_746 = arith.constant 0 : i32
      %dma_wait3A_747 = tpu.memref_slice %arg6[%dma_wait3A_743, %dma_wait3A_745, %dma_wait3A_746] : memref<5x128x128xf32, #tpu.memory_space<vmem>> -> memref<1x128x128xf32, #tpu.memory_space<vmem>>
      %dma_wait3A_748 = tpu.memref_squeeze %dma_wait3A_747 : memref<1x128x128xf32, #tpu.memory_space<vmem>> -> memref<128x128xf32, #tpu.memory_space<vmem>>
      %dma_wait3A_749 = arith.constant 0 : i32
      %dma_wait3A_750 = tpu.memref_slice %arg4[%add3A_742, %dma_wait3A_749] : memref<819200x128xf32, #tpu.memory_space<hbm>> -> memref<128x128xf32, #tpu.memory_space<hbm>>
      %dma_wait3A_751 = tpu.memref_slice %arg8[%dma_wait3A_744] : memref<5x!tpu.dma_semaphore, #tpu.memory_space<semaphore_mem>> -> memref<1x!tpu.dma_semaphore, #tpu.memory_space<semaphore_mem>>
      %dma_wait3A_752 = tpu.memref_squeeze %dma_wait3A_751 : memref<1x!tpu.dma_semaphore, #tpu.memory_space<semaphore_mem>> -> memref<!tpu.dma_semaphore, #tpu.memory_space<semaphore_mem>>
      %dma_wait3A_753 = arith.constant 0 : i32
      %dma_wait3A_754 = tpu.memref_slice %arg4[%add3A_742, %dma_wait3A_753] : memref<819200x128xf32, #tpu.memory_space<hbm>> -> memref<128x128xf32, #tpu.memory_space<hbm>>
      %dma_wait3A_755 = arith.constant 0 : i32
      %dma_wait3A_756 = arith.constant 0 : i32
      %dma_wait3A_757 = tpu.memref_slice %arg6[%dma_wait3A_743, %dma_wait3A_755, %dma_wait3A_756] : memref<5x128x128xf32, #tpu.memory_space<vmem>> -> memref<1x128x128xf32, #tpu.memory_space<vmem>>
      %dma_wait3A_758 = tpu.memref_squeeze %dma_wait3A_757 : memref<1x128x128xf32, #tpu.memory_space<vmem>> -> memref<128x128xf32, #tpu.memory_space<vmem>>
      tpu.wait_dma2 semaphore(%dma_wait3A_752 : memref<!tpu.dma_semaphore, #tpu.memory_space<semaphore_mem>>) src(%dma_wait3A_758 : memref<128x128xf32, #tpu.memory_space<vmem>>) dst(%dma_wait3A_754 : memref<128x128xf32, #tpu.memory_space<hbm>>)
      %add3A_759 = arith.constant 4 : i32
      %add3A_760 = arith.addi %mul3A_340, %add3A_759 : i32
      %add3A_761 = arith.constant 5 : i32
      %add3A_762 = arith.addi %add3A_760, %add3A_761 : i32
      %mul3A_763 = arith.constant 1 : i32
      %mul3A_764 = arith.muli %add3A_762, %mul3A_763 : i32
      %add3A_765 = arith.constant 0 : i32
      %add3A_766 = arith.addi %mul3A_764, %add3A_765 : i32
      %dma_start3A_767 = arith.constant 4 : i32
      %dma_start3A_768 = arith.constant 4 : i32
      %dma_start3A_769 = arith.constant 0 : i32
      %dma_start3A_770 = arith.constant 0 : i32
      %dma_start3A_771 = tpu.memref_slice %arg6[%dma_start3A_767, %dma_start3A_769, %dma_start3A_770] : memref<5x128x128xf32, #tpu.memory_space<vmem>> -> memref<1x128x128xf32, #tpu.memory_space<vmem>>
      %dma_start3A_772 = tpu.memref_squeeze %dma_start3A_771 : memref<1x128x128xf32, #tpu.memory_space<vmem>> -> memref<128x128xf32, #tpu.memory_space<vmem>>
      %dma_start3A_773 = arith.constant 0 : i32
      %dma_start3A_774 = tpu.memref_slice %arg5[%add3A_766, %dma_start3A_773] : memref<200x128xi32, #tpu.memory_space<vmem>> -> memref<1x128xi32, #tpu.memory_space<vmem>>
      %dma_start3A_775 = tpu.memref_squeeze %dma_start3A_774 : memref<1x128xi32, #tpu.memory_space<vmem>> -> memref<128xi32, #tpu.memory_space<vmem>>
      %dma_start3A_776 = arith.constant 0 : i32
      %dma_start3A_777 = arith.constant 0 : i32
      %dma_start3A_778 = tpu.memref_slice %arg3[%dma_start3A_776, %dma_start3A_777] : memref<100000x128xf32, #tpu.memory_space<hbm>> -> memref<100000x128xf32, #tpu.memory_space<hbm>>
      %dma_start3A_779 = tpu.memref_slice %arg7[%dma_start3A_768] : memref<5x!tpu.dma_semaphore, #tpu.memory_space<semaphore_mem>> -> memref<1x!tpu.dma_semaphore, #tpu.memory_space<semaphore_mem>>
      %dma_start3A_780 = tpu.memref_squeeze %dma_start3A_779 : memref<1x!tpu.dma_semaphore, #tpu.memory_space<semaphore_mem>> -> memref<!tpu.dma_semaphore, #tpu.memory_space<semaphore_mem>>
      tpu.enqueue_indirect_dma source(%dma_start3A_778 : memref<100000x128xf32, #tpu.memory_space<hbm>>) target(%dma_start3A_772 : memref<128x128xf32, #tpu.memory_space<vmem>>) offsets(%dma_start3A_775 : memref<128xi32, #tpu.memory_space<vmem>>) semaphore(%dma_start3A_780 : memref<!tpu.dma_semaphore, #tpu.memory_space<semaphore_mem>>)
    }
    %scan3A_83 = arith.constant 39 : i32
    %dma_wait3A = arith.constant 195 : i32
    %dma_wait3A_84 = arith.constant 0 : i32
    %dma_wait3A_85 = arith.constant 0 : i32
    %dma_wait3A_86 = arith.constant 0 : i32
    %dma_wait3A_87 = arith.constant 0 : i32
    %dma_wait3A_88 = tpu.memref_slice %arg6[%dma_wait3A_84, %dma_wait3A_86, %dma_wait3A_87] : memref<5x128x128xf32, #tpu.memory_space<vmem>> -> memref<1x128x128xf32, #tpu.memory_space<vmem>>
    %dma_wait3A_89 = tpu.memref_squeeze %dma_wait3A_88 : memref<1x128x128xf32, #tpu.memory_space<vmem>> -> memref<128x128xf32, #tpu.memory_space<vmem>>
    %dma_wait3A_90 = arith.constant 0 : i32
    %dma_wait3A_91 = tpu.memref_slice %arg5[%dma_wait3A, %dma_wait3A_90] : memref<200x128xi32, #tpu.memory_space<vmem>> -> memref<1x128xi32, #tpu.memory_space<vmem>>
    %dma_wait3A_92 = tpu.memref_squeeze %dma_wait3A_91 : memref<1x128xi32, #tpu.memory_space<vmem>> -> memref<128xi32, #tpu.memory_space<vmem>>
    %dma_wait3A_93 = arith.constant 0 : i32
    %dma_wait3A_94 = arith.constant 0 : i32
    %dma_wait3A_95 = tpu.memref_slice %arg3[%dma_wait3A_93, %dma_wait3A_94] : memref<100000x128xf32, #tpu.memory_space<hbm>> -> memref<100000x128xf32, #tpu.memory_space<hbm>>
    %dma_wait3A_96 = tpu.memref_slice %arg7[%dma_wait3A_85] : memref<5x!tpu.dma_semaphore, #tpu.memory_space<semaphore_mem>> -> memref<1x!tpu.dma_semaphore, #tpu.memory_space<semaphore_mem>>
    %dma_wait3A_97 = tpu.memref_squeeze %dma_wait3A_96 : memref<1x!tpu.dma_semaphore, #tpu.memory_space<semaphore_mem>> -> memref<!tpu.dma_semaphore, #tpu.memory_space<semaphore_mem>>
    tpu.wait_indirect_dma semaphore(%dma_wait3A_97 : memref<!tpu.dma_semaphore, #tpu.memory_space<semaphore_mem>>) src(%dma_wait3A_95 : memref<100000x128xf32, #tpu.memory_space<hbm>>) dst(%dma_wait3A_89 : memref<128x128xf32, #tpu.memory_space<vmem>>)
    %add3A_98 = arith.constant 24960 : i32
    %add3A_99 = arith.addi %mul3A_2, %add3A_98 : i32
    %dma_start3A_100 = arith.constant 0 : i32
    %dma_start3A_101 = arith.constant 0 : i32
    %dma_start3A_102 = arith.constant 0 : i32
    %dma_start3A_103 = arith.constant 0 : i32
    %dma_start3A_104 = tpu.memref_slice %arg6[%dma_start3A_100, %dma_start3A_102, %dma_start3A_103] : memref<5x128x128xf32, #tpu.memory_space<vmem>> -> memref<1x128x128xf32, #tpu.memory_space<vmem>>
    %dma_start3A_105 = tpu.memref_squeeze %dma_start3A_104 : memref<1x128x128xf32, #tpu.memory_space<vmem>> -> memref<128x128xf32, #tpu.memory_space<vmem>>
    %dma_start3A_106 = arith.constant 0 : i32
    %dma_start3A_107 = tpu.memref_slice %arg4[%add3A_99, %dma_start3A_106] : memref<819200x128xf32, #tpu.memory_space<hbm>> -> memref<128x128xf32, #tpu.memory_space<hbm>>
    %dma_start3A_108 = tpu.memref_slice %arg8[%dma_start3A_101] : memref<5x!tpu.dma_semaphore, #tpu.memory_space<semaphore_mem>> -> memref<1x!tpu.dma_semaphore, #tpu.memory_space<semaphore_mem>>
    %dma_start3A_109 = tpu.memref_squeeze %dma_start3A_108 : memref<1x!tpu.dma_semaphore, #tpu.memory_space<semaphore_mem>> -> memref<!tpu.dma_semaphore, #tpu.memory_space<semaphore_mem>>
    %dma_start3A_110 = arith.constant 0 : i32
    %dma_start3A_111 = tpu.memref_slice %arg4[%add3A_99, %dma_start3A_110] : memref<819200x128xf32, #tpu.memory_space<hbm>> -> memref<128x128xf32, #tpu.memory_space<hbm>>
    %dma_start3A_112 = arith.constant 0 : i32
    %dma_start3A_113 = arith.constant 0 : i32
    %dma_start3A_114 = tpu.memref_slice %arg6[%dma_start3A_100, %dma_start3A_112, %dma_start3A_113] : memref<5x128x128xf32, #tpu.memory_space<vmem>> -> memref<1x128x128xf32, #tpu.memory_space<vmem>>
    %dma_start3A_115 = tpu.memref_squeeze %dma_start3A_114 : memref<1x128x128xf32, #tpu.memory_space<vmem>> -> memref<128x128xf32, #tpu.memory_space<vmem>>
    tpu.enqueue_dma source(%dma_start3A_115 : memref<128x128xf32, #tpu.memory_space<vmem>>) target(%dma_start3A_111 : memref<128x128xf32, #tpu.memory_space<hbm>>) target_semaphore(%dma_start3A_109 : memref<!tpu.dma_semaphore, #tpu.memory_space<semaphore_mem>>)
    %dma_wait3A_116 = arith.constant 196 : i32
    %dma_wait3A_117 = arith.constant 1 : i32
    %dma_wait3A_118 = arith.constant 1 : i32
    %dma_wait3A_119 = arith.constant 0 : i32
    %dma_wait3A_120 = arith.constant 0 : i32
    %dma_wait3A_121 = tpu.memref_slice %arg6[%dma_wait3A_117, %dma_wait3A_119, %dma_wait3A_120] : memref<5x128x128xf32, #tpu.memory_space<vmem>> -> memref<1x128x128xf32, #tpu.memory_space<vmem>>
    %dma_wait3A_122 = tpu.memref_squeeze %dma_wait3A_121 : memref<1x128x128xf32, #tpu.memory_space<vmem>> -> memref<128x128xf32, #tpu.memory_space<vmem>>
    %dma_wait3A_123 = arith.constant 0 : i32
    %dma_wait3A_124 = tpu.memref_slice %arg5[%dma_wait3A_116, %dma_wait3A_123] : memref<200x128xi32, #tpu.memory_space<vmem>> -> memref<1x128xi32, #tpu.memory_space<vmem>>
    %dma_wait3A_125 = tpu.memref_squeeze %dma_wait3A_124 : memref<1x128xi32, #tpu.memory_space<vmem>> -> memref<128xi32, #tpu.memory_space<vmem>>
    %dma_wait3A_126 = arith.constant 0 : i32
    %dma_wait3A_127 = arith.constant 0 : i32
    %dma_wait3A_128 = tpu.memref_slice %arg3[%dma_wait3A_126, %dma_wait3A_127] : memref<100000x128xf32, #tpu.memory_space<hbm>> -> memref<100000x128xf32, #tpu.memory_space<hbm>>
    %dma_wait3A_129 = tpu.memref_slice %arg7[%dma_wait3A_118] : memref<5x!tpu.dma_semaphore, #tpu.memory_space<semaphore_mem>> -> memref<1x!tpu.dma_semaphore, #tpu.memory_space<semaphore_mem>>
    %dma_wait3A_130 = tpu.memref_squeeze %dma_wait3A_129 : memref<1x!tpu.dma_semaphore, #tpu.memory_space<semaphore_mem>> -> memref<!tpu.dma_semaphore, #tpu.memory_space<semaphore_mem>>
    tpu.wait_indirect_dma semaphore(%dma_wait3A_130 : memref<!tpu.dma_semaphore, #tpu.memory_space<semaphore_mem>>) src(%dma_wait3A_128 : memref<100000x128xf32, #tpu.memory_space<hbm>>) dst(%dma_wait3A_122 : memref<128x128xf32, #tpu.memory_space<vmem>>)
    %add3A_131 = arith.constant 25088 : i32
    %add3A_132 = arith.addi %mul3A_2, %add3A_131 : i32
    %dma_start3A_133 = arith.constant 1 : i32
    %dma_start3A_134 = arith.constant 1 : i32
    %dma_start3A_135 = arith.constant 0 : i32
    %dma_start3A_136 = arith.constant 0 : i32
    %dma_start3A_137 = tpu.memref_slice %arg6[%dma_start3A_133, %dma_start3A_135, %dma_start3A_136] : memref<5x128x128xf32, #tpu.memory_space<vmem>> -> memref<1x128x128xf32, #tpu.memory_space<vmem>>
    %dma_start3A_138 = tpu.memref_squeeze %dma_start3A_137 : memref<1x128x128xf32, #tpu.memory_space<vmem>> -> memref<128x128xf32, #tpu.memory_space<vmem>>
    %dma_start3A_139 = arith.constant 0 : i32
    %dma_start3A_140 = tpu.memref_slice %arg4[%add3A_132, %dma_start3A_139] : memref<819200x128xf32, #tpu.memory_space<hbm>> -> memref<128x128xf32, #tpu.memory_space<hbm>>
    %dma_start3A_141 = tpu.memref_slice %arg8[%dma_start3A_134] : memref<5x!tpu.dma_semaphore, #tpu.memory_space<semaphore_mem>> -> memref<1x!tpu.dma_semaphore, #tpu.memory_space<semaphore_mem>>
    %dma_start3A_142 = tpu.memref_squeeze %dma_start3A_141 : memref<1x!tpu.dma_semaphore, #tpu.memory_space<semaphore_mem>> -> memref<!tpu.dma_semaphore, #tpu.memory_space<semaphore_mem>>
    %dma_start3A_143 = arith.constant 0 : i32
    %dma_start3A_144 = tpu.memref_slice %arg4[%add3A_132, %dma_start3A_143] : memref<819200x128xf32, #tpu.memory_space<hbm>> -> memref<128x128xf32, #tpu.memory_space<hbm>>
    %dma_start3A_145 = arith.constant 0 : i32
    %dma_start3A_146 = arith.constant 0 : i32
    %dma_start3A_147 = tpu.memref_slice %arg6[%dma_start3A_133, %dma_start3A_145, %dma_start3A_146] : memref<5x128x128xf32, #tpu.memory_space<vmem>> -> memref<1x128x128xf32, #tpu.memory_space<vmem>>
    %dma_start3A_148 = tpu.memref_squeeze %dma_start3A_147 : memref<1x128x128xf32, #tpu.memory_space<vmem>> -> memref<128x128xf32, #tpu.memory_space<vmem>>
    tpu.enqueue_dma source(%dma_start3A_148 : memref<128x128xf32, #tpu.memory_space<vmem>>) target(%dma_start3A_144 : memref<128x128xf32, #tpu.memory_space<hbm>>) target_semaphore(%dma_start3A_142 : memref<!tpu.dma_semaphore, #tpu.memory_space<semaphore_mem>>)
    %dma_wait3A_149 = arith.constant 197 : i32
    %dma_wait3A_150 = arith.constant 2 : i32
    %dma_wait3A_151 = arith.constant 2 : i32
    %dma_wait3A_152 = arith.constant 0 : i32
    %dma_wait3A_153 = arith.constant 0 : i32
    %dma_wait3A_154 = tpu.memref_slice %arg6[%dma_wait3A_150, %dma_wait3A_152, %dma_wait3A_153] : memref<5x128x128xf32, #tpu.memory_space<vmem>> -> memref<1x128x128xf32, #tpu.memory_space<vmem>>
    %dma_wait3A_155 = tpu.memref_squeeze %dma_wait3A_154 : memref<1x128x128xf32, #tpu.memory_space<vmem>> -> memref<128x128xf32, #tpu.memory_space<vmem>>
    %dma_wait3A_156 = arith.constant 0 : i32
    %dma_wait3A_157 = tpu.memref_slice %arg5[%dma_wait3A_149, %dma_wait3A_156] : memref<200x128xi32, #tpu.memory_space<vmem>> -> memref<1x128xi32, #tpu.memory_space<vmem>>
    %dma_wait3A_158 = tpu.memref_squeeze %dma_wait3A_157 : memref<1x128xi32, #tpu.memory_space<vmem>> -> memref<128xi32, #tpu.memory_space<vmem>>
    %dma_wait3A_159 = arith.constant 0 : i32
    %dma_wait3A_160 = arith.constant 0 : i32
    %dma_wait3A_161 = tpu.memref_slice %arg3[%dma_wait3A_159, %dma_wait3A_160] : memref<100000x128xf32, #tpu.memory_space<hbm>> -> memref<100000x128xf32, #tpu.memory_space<hbm>>
    %dma_wait3A_162 = tpu.memref_slice %arg7[%dma_wait3A_151] : memref<5x!tpu.dma_semaphore, #tpu.memory_space<semaphore_mem>> -> memref<1x!tpu.dma_semaphore, #tpu.memory_space<semaphore_mem>>
    %dma_wait3A_163 = tpu.memref_squeeze %dma_wait3A_162 : memref<1x!tpu.dma_semaphore, #tpu.memory_space<semaphore_mem>> -> memref<!tpu.dma_semaphore, #tpu.memory_space<semaphore_mem>>
    tpu.wait_indirect_dma semaphore(%dma_wait3A_163 : memref<!tpu.dma_semaphore, #tpu.memory_space<semaphore_mem>>) src(%dma_wait3A_161 : memref<100000x128xf32, #tpu.memory_space<hbm>>) dst(%dma_wait3A_155 : memref<128x128xf32, #tpu.memory_space<vmem>>)
    %add3A_164 = arith.constant 25216 : i32
    %add3A_165 = arith.addi %mul3A_2, %add3A_164 : i32
    %dma_start3A_166 = arith.constant 2 : i32
    %dma_start3A_167 = arith.constant 2 : i32
    %dma_start3A_168 = arith.constant 0 : i32
    %dma_start3A_169 = arith.constant 0 : i32
    %dma_start3A_170 = tpu.memref_slice %arg6[%dma_start3A_166, %dma_start3A_168, %dma_start3A_169] : memref<5x128x128xf32, #tpu.memory_space<vmem>> -> memref<1x128x128xf32, #tpu.memory_space<vmem>>
    %dma_start3A_171 = tpu.memref_squeeze %dma_start3A_170 : memref<1x128x128xf32, #tpu.memory_space<vmem>> -> memref<128x128xf32, #tpu.memory_space<vmem>>
    %dma_start3A_172 = arith.constant 0 : i32
    %dma_start3A_173 = tpu.memref_slice %arg4[%add3A_165, %dma_start3A_172] : memref<819200x128xf32, #tpu.memory_space<hbm>> -> memref<128x128xf32, #tpu.memory_space<hbm>>
    %dma_start3A_174 = tpu.memref_slice %arg8[%dma_start3A_167] : memref<5x!tpu.dma_semaphore, #tpu.memory_space<semaphore_mem>> -> memref<1x!tpu.dma_semaphore, #tpu.memory_space<semaphore_mem>>
    %dma_start3A_175 = tpu.memref_squeeze %dma_start3A_174 : memref<1x!tpu.dma_semaphore, #tpu.memory_space<semaphore_mem>> -> memref<!tpu.dma_semaphore, #tpu.memory_space<semaphore_mem>>
    %dma_start3A_176 = arith.constant 0 : i32
    %dma_start3A_177 = tpu.memref_slice %arg4[%add3A_165, %dma_start3A_176] : memref<819200x128xf32, #tpu.memory_space<hbm>> -> memref<128x128xf32, #tpu.memory_space<hbm>>
    %dma_start3A_178 = arith.constant 0 : i32
    %dma_start3A_179 = arith.constant 0 : i32
    %dma_start3A_180 = tpu.memref_slice %arg6[%dma_start3A_166, %dma_start3A_178, %dma_start3A_179] : memref<5x128x128xf32, #tpu.memory_space<vmem>> -> memref<1x128x128xf32, #tpu.memory_space<vmem>>
    %dma_start3A_181 = tpu.memref_squeeze %dma_start3A_180 : memref<1x128x128xf32, #tpu.memory_space<vmem>> -> memref<128x128xf32, #tpu.memory_space<vmem>>
    tpu.enqueue_dma source(%dma_start3A_181 : memref<128x128xf32, #tpu.memory_space<vmem>>) target(%dma_start3A_177 : memref<128x128xf32, #tpu.memory_space<hbm>>) target_semaphore(%dma_start3A_175 : memref<!tpu.dma_semaphore, #tpu.memory_space<semaphore_mem>>)
    %dma_wait3A_182 = arith.constant 198 : i32
    %dma_wait3A_183 = arith.constant 3 : i32
    %dma_wait3A_184 = arith.constant 3 : i32
    %dma_wait3A_185 = arith.constant 0 : i32
    %dma_wait3A_186 = arith.constant 0 : i32
    %dma_wait3A_187 = tpu.memref_slice %arg6[%dma_wait3A_183, %dma_wait3A_185, %dma_wait3A_186] : memref<5x128x128xf32, #tpu.memory_space<vmem>> -> memref<1x128x128xf32, #tpu.memory_space<vmem>>
    %dma_wait3A_188 = tpu.memref_squeeze %dma_wait3A_187 : memref<1x128x128xf32, #tpu.memory_space<vmem>> -> memref<128x128xf32, #tpu.memory_space<vmem>>
    %dma_wait3A_189 = arith.constant 0 : i32
    %dma_wait3A_190 = tpu.memref_slice %arg5[%dma_wait3A_182, %dma_wait3A_189] : memref<200x128xi32, #tpu.memory_space<vmem>> -> memref<1x128xi32, #tpu.memory_space<vmem>>
    %dma_wait3A_191 = tpu.memref_squeeze %dma_wait3A_190 : memref<1x128xi32, #tpu.memory_space<vmem>> -> memref<128xi32, #tpu.memory_space<vmem>>
    %dma_wait3A_192 = arith.constant 0 : i32
    %dma_wait3A_193 = arith.constant 0 : i32
    %dma_wait3A_194 = tpu.memref_slice %arg3[%dma_wait3A_192, %dma_wait3A_193] : memref<100000x128xf32, #tpu.memory_space<hbm>> -> memref<100000x128xf32, #tpu.memory_space<hbm>>
    %dma_wait3A_195 = tpu.memref_slice %arg7[%dma_wait3A_184] : memref<5x!tpu.dma_semaphore, #tpu.memory_space<semaphore_mem>> -> memref<1x!tpu.dma_semaphore, #tpu.memory_space<semaphore_mem>>
    %dma_wait3A_196 = tpu.memref_squeeze %dma_wait3A_195 : memref<1x!tpu.dma_semaphore, #tpu.memory_space<semaphore_mem>> -> memref<!tpu.dma_semaphore, #tpu.memory_space<semaphore_mem>>
    tpu.wait_indirect_dma semaphore(%dma_wait3A_196 : memref<!tpu.dma_semaphore, #tpu.memory_space<semaphore_mem>>) src(%dma_wait3A_194 : memref<100000x128xf32, #tpu.memory_space<hbm>>) dst(%dma_wait3A_188 : memref<128x128xf32, #tpu.memory_space<vmem>>)
    %add3A_197 = arith.constant 25344 : i32
    %add3A_198 = arith.addi %mul3A_2, %add3A_197 : i32
    %dma_start3A_199 = arith.constant 3 : i32
    %dma_start3A_200 = arith.constant 3 : i32
    %dma_start3A_201 = arith.constant 0 : i32
    %dma_start3A_202 = arith.constant 0 : i32
    %dma_start3A_203 = tpu.memref_slice %arg6[%dma_start3A_199, %dma_start3A_201, %dma_start3A_202] : memref<5x128x128xf32, #tpu.memory_space<vmem>> -> memref<1x128x128xf32, #tpu.memory_space<vmem>>
    %dma_start3A_204 = tpu.memref_squeeze %dma_start3A_203 : memref<1x128x128xf32, #tpu.memory_space<vmem>> -> memref<128x128xf32, #tpu.memory_space<vmem>>
    %dma_start3A_205 = arith.constant 0 : i32
    %dma_start3A_206 = tpu.memref_slice %arg4[%add3A_198, %dma_start3A_205] : memref<819200x128xf32, #tpu.memory_space<hbm>> -> memref<128x128xf32, #tpu.memory_space<hbm>>
    %dma_start3A_207 = tpu.memref_slice %arg8[%dma_start3A_200] : memref<5x!tpu.dma_semaphore, #tpu.memory_space<semaphore_mem>> -> memref<1x!tpu.dma_semaphore, #tpu.memory_space<semaphore_mem>>
    %dma_start3A_208 = tpu.memref_squeeze %dma_start3A_207 : memref<1x!tpu.dma_semaphore, #tpu.memory_space<semaphore_mem>> -> memref<!tpu.dma_semaphore, #tpu.memory_space<semaphore_mem>>
    %dma_start3A_209 = arith.constant 0 : i32
    %dma_start3A_210 = tpu.memref_slice %arg4[%add3A_198, %dma_start3A_209] : memref<819200x128xf32, #tpu.memory_space<hbm>> -> memref<128x128xf32, #tpu.memory_space<hbm>>
    %dma_start3A_211 = arith.constant 0 : i32
    %dma_start3A_212 = arith.constant 0 : i32
    %dma_start3A_213 = tpu.memref_slice %arg6[%dma_start3A_199, %dma_start3A_211, %dma_start3A_212] : memref<5x128x128xf32, #tpu.memory_space<vmem>> -> memref<1x128x128xf32, #tpu.memory_space<vmem>>
    %dma_start3A_214 = tpu.memref_squeeze %dma_start3A_213 : memref<1x128x128xf32, #tpu.memory_space<vmem>> -> memref<128x128xf32, #tpu.memory_space<vmem>>
    tpu.enqueue_dma source(%dma_start3A_214 : memref<128x128xf32, #tpu.memory_space<vmem>>) target(%dma_start3A_210 : memref<128x128xf32, #tpu.memory_space<hbm>>) target_semaphore(%dma_start3A_208 : memref<!tpu.dma_semaphore, #tpu.memory_space<semaphore_mem>>)
    %dma_wait3A_215 = arith.constant 199 : i32
    %dma_wait3A_216 = arith.constant 4 : i32
    %dma_wait3A_217 = arith.constant 4 : i32
    %dma_wait3A_218 = arith.constant 0 : i32
    %dma_wait3A_219 = arith.constant 0 : i32
    %dma_wait3A_220 = tpu.memref_slice %arg6[%dma_wait3A_216, %dma_wait3A_218, %dma_wait3A_219] : memref<5x128x128xf32, #tpu.memory_space<vmem>> -> memref<1x128x128xf32, #tpu.memory_space<vmem>>
    %dma_wait3A_221 = tpu.memref_squeeze %dma_wait3A_220 : memref<1x128x128xf32, #tpu.memory_space<vmem>> -> memref<128x128xf32, #tpu.memory_space<vmem>>
    %dma_wait3A_222 = arith.constant 0 : i32
    %dma_wait3A_223 = tpu.memref_slice %arg5[%dma_wait3A_215, %dma_wait3A_222] : memref<200x128xi32, #tpu.memory_space<vmem>> -> memref<1x128xi32, #tpu.memory_space<vmem>>
    %dma_wait3A_224 = tpu.memref_squeeze %dma_wait3A_223 : memref<1x128xi32, #tpu.memory_space<vmem>> -> memref<128xi32, #tpu.memory_space<vmem>>
    %dma_wait3A_225 = arith.constant 0 : i32
    %dma_wait3A_226 = arith.constant 0 : i32
    %dma_wait3A_227 = tpu.memref_slice %arg3[%dma_wait3A_225, %dma_wait3A_226] : memref<100000x128xf32, #tpu.memory_space<hbm>> -> memref<100000x128xf32, #tpu.memory_space<hbm>>
    %dma_wait3A_228 = tpu.memref_slice %arg7[%dma_wait3A_217] : memref<5x!tpu.dma_semaphore, #tpu.memory_space<semaphore_mem>> -> memref<1x!tpu.dma_semaphore, #tpu.memory_space<semaphore_mem>>
    %dma_wait3A_229 = tpu.memref_squeeze %dma_wait3A_228 : memref<1x!tpu.dma_semaphore, #tpu.memory_space<semaphore_mem>> -> memref<!tpu.dma_semaphore, #tpu.memory_space<semaphore_mem>>
    tpu.wait_indirect_dma semaphore(%dma_wait3A_229 : memref<!tpu.dma_semaphore, #tpu.memory_space<semaphore_mem>>) src(%dma_wait3A_227 : memref<100000x128xf32, #tpu.memory_space<hbm>>) dst(%dma_wait3A_221 : memref<128x128xf32, #tpu.memory_space<vmem>>)
    %add3A_230 = arith.constant 25472 : i32
    %add3A_231 = arith.addi %mul3A_2, %add3A_230 : i32
    %dma_start3A_232 = arith.constant 4 : i32
    %dma_start3A_233 = arith.constant 4 : i32
    %dma_start3A_234 = arith.constant 0 : i32
    %dma_start3A_235 = arith.constant 0 : i32
    %dma_start3A_236 = tpu.memref_slice %arg6[%dma_start3A_232, %dma_start3A_234, %dma_start3A_235] : memref<5x128x128xf32, #tpu.memory_space<vmem>> -> memref<1x128x128xf32, #tpu.memory_space<vmem>>
    %dma_start3A_237 = tpu.memref_squeeze %dma_start3A_236 : memref<1x128x128xf32, #tpu.memory_space<vmem>> -> memref<128x128xf32, #tpu.memory_space<vmem>>
    %dma_start3A_238 = arith.constant 0 : i32
    %dma_start3A_239 = tpu.memref_slice %arg4[%add3A_231, %dma_start3A_238] : memref<819200x128xf32, #tpu.memory_space<hbm>> -> memref<128x128xf32, #tpu.memory_space<hbm>>
    %dma_start3A_240 = tpu.memref_slice %arg8[%dma_start3A_233] : memref<5x!tpu.dma_semaphore, #tpu.memory_space<semaphore_mem>> -> memref<1x!tpu.dma_semaphore, #tpu.memory_space<semaphore_mem>>
    %dma_start3A_241 = tpu.memref_squeeze %dma_start3A_240 : memref<1x!tpu.dma_semaphore, #tpu.memory_space<semaphore_mem>> -> memref<!tpu.dma_semaphore, #tpu.memory_space<semaphore_mem>>
    %dma_start3A_242 = arith.constant 0 : i32
    %dma_start3A_243 = tpu.memref_slice %arg4[%add3A_231, %dma_start3A_242] : memref<819200x128xf32, #tpu.memory_space<hbm>> -> memref<128x128xf32, #tpu.memory_space<hbm>>
    %dma_start3A_244 = arith.constant 0 : i32
    %dma_start3A_245 = arith.constant 0 : i32
    %dma_start3A_246 = tpu.memref_slice %arg6[%dma_start3A_232, %dma_start3A_244, %dma_start3A_245] : memref<5x128x128xf32, #tpu.memory_space<vmem>> -> memref<1x128x128xf32, #tpu.memory_space<vmem>>
    %dma_start3A_247 = tpu.memref_squeeze %dma_start3A_246 : memref<1x128x128xf32, #tpu.memory_space<vmem>> -> memref<128x128xf32, #tpu.memory_space<vmem>>
    tpu.enqueue_dma source(%dma_start3A_247 : memref<128x128xf32, #tpu.memory_space<vmem>>) target(%dma_start3A_243 : memref<128x128xf32, #tpu.memory_space<hbm>>) target_semaphore(%dma_start3A_241 : memref<!tpu.dma_semaphore, #tpu.memory_space<semaphore_mem>>)
    %add3A_248 = arith.constant 24960 : i32
    %add3A_249 = arith.addi %mul3A_2, %add3A_248 : i32
    %dma_wait3A_250 = arith.constant 0 : i32
    %dma_wait3A_251 = arith.constant 0 : i32
    %dma_wait3A_252 = arith.constant 0 : i32
    %dma_wait3A_253 = arith.constant 0 : i32
    %dma_wait3A_254 = tpu.memref_slice %arg6[%dma_wait3A_250, %dma_wait3A_252, %dma_wait3A_253] : memref<5x128x128xf32, #tpu.memory_space<vmem>> -> memref<1x128x128xf32, #tpu.memory_space<vmem>>
    %dma_wait3A_255 = tpu.memref_squeeze %dma_wait3A_254 : memref<1x128x128xf32, #tpu.memory_space<vmem>> -> memref<128x128xf32, #tpu.memory_space<vmem>>
    %dma_wait3A_256 = arith.constant 0 : i32
    %dma_wait3A_257 = tpu.memref_slice %arg4[%add3A_249, %dma_wait3A_256] : memref<819200x128xf32, #tpu.memory_space<hbm>> -> memref<128x128xf32, #tpu.memory_space<hbm>>
    %dma_wait3A_258 = tpu.memref_slice %arg8[%dma_wait3A_251] : memref<5x!tpu.dma_semaphore, #tpu.memory_space<semaphore_mem>> -> memref<1x!tpu.dma_semaphore, #tpu.memory_space<semaphore_mem>>
    %dma_wait3A_259 = tpu.memref_squeeze %dma_wait3A_258 : memref<1x!tpu.dma_semaphore, #tpu.memory_space<semaphore_mem>> -> memref<!tpu.dma_semaphore, #tpu.memory_space<semaphore_mem>>
    %dma_wait3A_260 = arith.constant 0 : i32
    %dma_wait3A_261 = tpu.memref_slice %arg4[%add3A_249, %dma_wait3A_260] : memref<819200x128xf32, #tpu.memory_space<hbm>> -> memref<128x128xf32, #tpu.memory_space<hbm>>
    %dma_wait3A_262 = arith.constant 0 : i32
    %dma_wait3A_263 = arith.constant 0 : i32
    %dma_wait3A_264 = tpu.memref_slice %arg6[%dma_wait3A_250, %dma_wait3A_262, %dma_wait3A_263] : memref<5x128x128xf32, #tpu.memory_space<vmem>> -> memref<1x128x128xf32, #tpu.memory_space<vmem>>
    %dma_wait3A_265 = tpu.memref_squeeze %dma_wait3A_264 : memref<1x128x128xf32, #tpu.memory_space<vmem>> -> memref<128x128xf32, #tpu.memory_space<vmem>>
    tpu.wait_dma2 semaphore(%dma_wait3A_259 : memref<!tpu.dma_semaphore, #tpu.memory_space<semaphore_mem>>) src(%dma_wait3A_265 : memref<128x128xf32, #tpu.memory_space<vmem>>) dst(%dma_wait3A_261 : memref<128x128xf32, #tpu.memory_space<hbm>>)
    %add3A_266 = arith.constant 25088 : i32
    %add3A_267 = arith.addi %mul3A_2, %add3A_266 : i32
    %dma_wait3A_268 = arith.constant 1 : i32
    %dma_wait3A_269 = arith.constant 1 : i32
    %dma_wait3A_270 = arith.constant 0 : i32
    %dma_wait3A_271 = arith.constant 0 : i32
    %dma_wait3A_272 = tpu.memref_slice %arg6[%dma_wait3A_268, %dma_wait3A_270, %dma_wait3A_271] : memref<5x128x128xf32, #tpu.memory_space<vmem>> -> memref<1x128x128xf32, #tpu.memory_space<vmem>>
    %dma_wait3A_273 = tpu.memref_squeeze %dma_wait3A_272 : memref<1x128x128xf32, #tpu.memory_space<vmem>> -> memref<128x128xf32, #tpu.memory_space<vmem>>
    %dma_wait3A_274 = arith.constant 0 : i32
    %dma_wait3A_275 = tpu.memref_slice %arg4[%add3A_267, %dma_wait3A_274] : memref<819200x128xf32, #tpu.memory_space<hbm>> -> memref<128x128xf32, #tpu.memory_space<hbm>>
    %dma_wait3A_276 = tpu.memref_slice %arg8[%dma_wait3A_269] : memref<5x!tpu.dma_semaphore, #tpu.memory_space<semaphore_mem>> -> memref<1x!tpu.dma_semaphore, #tpu.memory_space<semaphore_mem>>
    %dma_wait3A_277 = tpu.memref_squeeze %dma_wait3A_276 : memref<1x!tpu.dma_semaphore, #tpu.memory_space<semaphore_mem>> -> memref<!tpu.dma_semaphore, #tpu.memory_space<semaphore_mem>>
    %dma_wait3A_278 = arith.constant 0 : i32
    %dma_wait3A_279 = tpu.memref_slice %arg4[%add3A_267, %dma_wait3A_278] : memref<819200x128xf32, #tpu.memory_space<hbm>> -> memref<128x128xf32, #tpu.memory_space<hbm>>
    %dma_wait3A_280 = arith.constant 0 : i32
    %dma_wait3A_281 = arith.constant 0 : i32
    %dma_wait3A_282 = tpu.memref_slice %arg6[%dma_wait3A_268, %dma_wait3A_280, %dma_wait3A_281] : memref<5x128x128xf32, #tpu.memory_space<vmem>> -> memref<1x128x128xf32, #tpu.memory_space<vmem>>
    %dma_wait3A_283 = tpu.memref_squeeze %dma_wait3A_282 : memref<1x128x128xf32, #tpu.memory_space<vmem>> -> memref<128x128xf32, #tpu.memory_space<vmem>>
    tpu.wait_dma2 semaphore(%dma_wait3A_277 : memref<!tpu.dma_semaphore, #tpu.memory_space<semaphore_mem>>) src(%dma_wait3A_283 : memref<128x128xf32, #tpu.memory_space<vmem>>) dst(%dma_wait3A_279 : memref<128x128xf32, #tpu.memory_space<hbm>>)
    %add3A_284 = arith.constant 25216 : i32
    %add3A_285 = arith.addi %mul3A_2, %add3A_284 : i32
    %dma_wait3A_286 = arith.constant 2 : i32
    %dma_wait3A_287 = arith.constant 2 : i32
    %dma_wait3A_288 = arith.constant 0 : i32
    %dma_wait3A_289 = arith.constant 0 : i32
    %dma_wait3A_290 = tpu.memref_slice %arg6[%dma_wait3A_286, %dma_wait3A_288, %dma_wait3A_289] : memref<5x128x128xf32, #tpu.memory_space<vmem>> -> memref<1x128x128xf32, #tpu.memory_space<vmem>>
    %dma_wait3A_291 = tpu.memref_squeeze %dma_wait3A_290 : memref<1x128x128xf32, #tpu.memory_space<vmem>> -> memref<128x128xf32, #tpu.memory_space<vmem>>
    %dma_wait3A_292 = arith.constant 0 : i32
    %dma_wait3A_293 = tpu.memref_slice %arg4[%add3A_285, %dma_wait3A_292] : memref<819200x128xf32, #tpu.memory_space<hbm>> -> memref<128x128xf32, #tpu.memory_space<hbm>>
    %dma_wait3A_294 = tpu.memref_slice %arg8[%dma_wait3A_287] : memref<5x!tpu.dma_semaphore, #tpu.memory_space<semaphore_mem>> -> memref<1x!tpu.dma_semaphore, #tpu.memory_space<semaphore_mem>>
    %dma_wait3A_295 = tpu.memref_squeeze %dma_wait3A_294 : memref<1x!tpu.dma_semaphore, #tpu.memory_space<semaphore_mem>> -> memref<!tpu.dma_semaphore, #tpu.memory_space<semaphore_mem>>
    %dma_wait3A_296 = arith.constant 0 : i32
    %dma_wait3A_297 = tpu.memref_slice %arg4[%add3A_285, %dma_wait3A_296] : memref<819200x128xf32, #tpu.memory_space<hbm>> -> memref<128x128xf32, #tpu.memory_space<hbm>>
    %dma_wait3A_298 = arith.constant 0 : i32
    %dma_wait3A_299 = arith.constant 0 : i32
    %dma_wait3A_300 = tpu.memref_slice %arg6[%dma_wait3A_286, %dma_wait3A_298, %dma_wait3A_299] : memref<5x128x128xf32, #tpu.memory_space<vmem>> -> memref<1x128x128xf32, #tpu.memory_space<vmem>>
    %dma_wait3A_301 = tpu.memref_squeeze %dma_wait3A_300 : memref<1x128x128xf32, #tpu.memory_space<vmem>> -> memref<128x128xf32, #tpu.memory_space<vmem>>
    tpu.wait_dma2 semaphore(%dma_wait3A_295 : memref<!tpu.dma_semaphore, #tpu.memory_space<semaphore_mem>>) src(%dma_wait3A_301 : memref<128x128xf32, #tpu.memory_space<vmem>>) dst(%dma_wait3A_297 : memref<128x128xf32, #tpu.memory_space<hbm>>)
    %add3A_302 = arith.constant 25344 : i32
    %add3A_303 = arith.addi %mul3A_2, %add3A_302 : i32
    %dma_wait3A_304 = arith.constant 3 : i32
    %dma_wait3A_305 = arith.constant 3 : i32
    %dma_wait3A_306 = arith.constant 0 : i32
    %dma_wait3A_307 = arith.constant 0 : i32
    %dma_wait3A_308 = tpu.memref_slice %arg6[%dma_wait3A_304, %dma_wait3A_306, %dma_wait3A_307] : memref<5x128x128xf32, #tpu.memory_space<vmem>> -> memref<1x128x128xf32, #tpu.memory_space<vmem>>
    %dma_wait3A_309 = tpu.memref_squeeze %dma_wait3A_308 : memref<1x128x128xf32, #tpu.memory_space<vmem>> -> memref<128x128xf32, #tpu.memory_space<vmem>>
    %dma_wait3A_310 = arith.constant 0 : i32
    %dma_wait3A_311 = tpu.memref_slice %arg4[%add3A_303, %dma_wait3A_310] : memref<819200x128xf32, #tpu.memory_space<hbm>> -> memref<128x128xf32, #tpu.memory_space<hbm>>
    %dma_wait3A_312 = tpu.memref_slice %arg8[%dma_wait3A_305] : memref<5x!tpu.dma_semaphore, #tpu.memory_space<semaphore_mem>> -> memref<1x!tpu.dma_semaphore, #tpu.memory_space<semaphore_mem>>
    %dma_wait3A_313 = tpu.memref_squeeze %dma_wait3A_312 : memref<1x!tpu.dma_semaphore, #tpu.memory_space<semaphore_mem>> -> memref<!tpu.dma_semaphore, #tpu.memory_space<semaphore_mem>>
    %dma_wait3A_314 = arith.constant 0 : i32
    %dma_wait3A_315 = tpu.memref_slice %arg4[%add3A_303, %dma_wait3A_314] : memref<819200x128xf32, #tpu.memory_space<hbm>> -> memref<128x128xf32, #tpu.memory_space<hbm>>
    %dma_wait3A_316 = arith.constant 0 : i32
    %dma_wait3A_317 = arith.constant 0 : i32
    %dma_wait3A_318 = tpu.memref_slice %arg6[%dma_wait3A_304, %dma_wait3A_316, %dma_wait3A_317] : memref<5x128x128xf32, #tpu.memory_space<vmem>> -> memref<1x128x128xf32, #tpu.memory_space<vmem>>
    %dma_wait3A_319 = tpu.memref_squeeze %dma_wait3A_318 : memref<1x128x128xf32, #tpu.memory_space<vmem>> -> memref<128x128xf32, #tpu.memory_space<vmem>>
    tpu.wait_dma2 semaphore(%dma_wait3A_313 : memref<!tpu.dma_semaphore, #tpu.memory_space<semaphore_mem>>) src(%dma_wait3A_319 : memref<128x128xf32, #tpu.memory_space<vmem>>) dst(%dma_wait3A_315 : memref<128x128xf32, #tpu.memory_space<hbm>>)
    %add3A_320 = arith.constant 25472 : i32
    %add3A_321 = arith.addi %mul3A_2, %add3A_320 : i32
    %dma_wait3A_322 = arith.constant 4 : i32
    %dma_wait3A_323 = arith.constant 4 : i32
    %dma_wait3A_324 = arith.constant 0 : i32
    %dma_wait3A_325 = arith.constant 0 : i32
    %dma_wait3A_326 = tpu.memref_slice %arg6[%dma_wait3A_322, %dma_wait3A_324, %dma_wait3A_325] : memref<5x128x128xf32, #tpu.memory_space<vmem>> -> memref<1x128x128xf32, #tpu.memory_space<vmem>>
    %dma_wait3A_327 = tpu.memref_squeeze %dma_wait3A_326 : memref<1x128x128xf32, #tpu.memory_space<vmem>> -> memref<128x128xf32, #tpu.memory_space<vmem>>
    %dma_wait3A_328 = arith.constant 0 : i32
    %dma_wait3A_329 = tpu.memref_slice %arg4[%add3A_321, %dma_wait3A_328] : memref<819200x128xf32, #tpu.memory_space<hbm>> -> memref<128x128xf32, #tpu.memory_space<hbm>>
    %dma_wait3A_330 = tpu.memref_slice %arg8[%dma_wait3A_323] : memref<5x!tpu.dma_semaphore, #tpu.memory_space<semaphore_mem>> -> memref<1x!tpu.dma_semaphore, #tpu.memory_space<semaphore_mem>>
    %dma_wait3A_331 = tpu.memref_squeeze %dma_wait3A_330 : memref<1x!tpu.dma_semaphore, #tpu.memory_space<semaphore_mem>> -> memref<!tpu.dma_semaphore, #tpu.memory_space<semaphore_mem>>
    %dma_wait3A_332 = arith.constant 0 : i32
    %dma_wait3A_333 = tpu.memref_slice %arg4[%add3A_321, %dma_wait3A_332] : memref<819200x128xf32, #tpu.memory_space<hbm>> -> memref<128x128xf32, #tpu.memory_space<hbm>>
    %dma_wait3A_334 = arith.constant 0 : i32
    %dma_wait3A_335 = arith.constant 0 : i32
    %dma_wait3A_336 = tpu.memref_slice %arg6[%dma_wait3A_322, %dma_wait3A_334, %dma_wait3A_335] : memref<5x128x128xf32, #tpu.memory_space<vmem>> -> memref<1x128x128xf32, #tpu.memory_space<vmem>>
    %dma_wait3A_337 = tpu.memref_squeeze %dma_wait3A_336 : memref<1x128x128xf32, #tpu.memory_space<vmem>> -> memref<128x128xf32, #tpu.memory_space<vmem>>
    tpu.wait_dma2 semaphore(%dma_wait3A_331 : memref<!tpu.dma_semaphore, #tpu.memory_space<semaphore_mem>>) src(%dma_wait3A_337 : memref<128x128xf32, #tpu.memory_space<vmem>>) dst(%dma_wait3A_333 : memref<128x128xf32, #tpu.memory_space<hbm>>)
    return
  }
}

</mosaic_0001>

<sc_bundles>
// kernel: kernel.3.cloned.1.call-start
scs
__scs_entry_jumppad:
0x0: {  	(pc) =	sbr.rel $0x88, $3  }
0x1: {  	(tag) =	ssettag $0x0;
	lr =	simm.s32 $0x1  }
0x2: {  	[smem:$0x3F9F] =	sst lr;
	_ =	strace $0xD0000000  }
0x3: {  	_ = 	snop  }
0x4: {  	_ = 	snop  }
0x5: {  	_ = 	snop  }
0x6: {  	_ = 	snop  }
0x7: {  	_ = 	snop  }
__scs_overlays_trampoline_lowered:
0x8: {  	[smem:$0x3FAE] =	sst s0  }
0x9: {  	[smem:$0x3FAF] =	sst s1  }
0xa: {  	[smem:$0x3FB0] =	sst s2  }
0xb: {  	[smem:$0x3FB1] =	sst s3  }
0xc: {  	[smem:$0x3FB2] =	sst s4  }
0xd: {  	[smem:$0x3FB3] =	sst s5  }
0xe: {  	[smem:$0x3FB4] =	sst s6  }
0xf: {  	[smem:$0x3FB5] =	sst s7  }
0x10: {  	[smem:$0x3FB6] =	sst s8  }
0x11: {  	[smem:$0x3FB7] =	sst s9;
	s0 =	simm.s32 @!p0 $0x0  }
0x12: {  	s1 =	sld [smem:$0x3F9D];
	s0 =	simm.s32 @p0 $0x1  }
0x13: {  	[smem:$0x3FB8] =	sst s0;
	s0 =	simm.s32 @!p1 $0x0  }
0x14: {  	s2 =	sld [smem:$0x3F9C];
	s0 =	simm.s32 @p1 $0x1  }
0x15: {  	[smem:$0x3FB9] =	sst s0;
	s0 =	simm.s32 @!p2 $0x0  }
0x16: {  	s3 =	sld [smem:$0x3FDB];
	s0 =	simm.s32 @p2 $0x1  }
0x17: {  	s4 =	simm.s32 $0x1BF5;
	[smem:$0x3FBB] =	sst s0  }
0x18: {  	s0 =	sld [smem:$0x3F9E];
	_ =	swait.ge [sflag:s4], $0x0  }
0x19: {  	s7 =	sld [smem:$0x3F9F]  }
0x1a: {  	s8 =	sadd.s32 $0xFFFFE003, lr  }
0x1b: {  	s9 =	sadd.s32 $0xFFFFFEF7, lr;
	s5 =	simm.s32 $0xFFFFFFFF;
	p2 =	slt.u32 s8, $0xFFFFF086  }
0x1c: {  	p1 =	slt.u32 s9, $0xF7A;
	s5 =	simm.s32 @!p2 $0x0  }
0x1d: {  	s5 =	simm.s32 @p1 $0x1;
	p0 =	seq.s32 s7, s2  }
0x1e: {  	s7 =	smul.u32 @!p0 $0xF7A, s2;
	p2 =	seq.s32 @!p0 s5, $0x0  }
0x1f: {  	s9 =	smul.u32 $0xF7A, s1;
	s8 =	simm.s32 @!p0 $0x1BF5;
	p2 =	por !p2, p0  }
0x20: {  	[sflag:s8] =	ssyncset.s32 @!p0 $0xFFFFF086;
	s6 =	sadd.s32 @!p0 s3, s7;
	s7 =	simm.s32 @!p0 $0x108  }
0x21: {  	s3 =	sadd.s32 s3, s9;
	s6 =	sadd.s32 @!p0 $0x88, s6;
	s7 =	simm.s32 @p2 $0x1082  }
0x22: {  	[simem:s7], [sflag:s8] =	dma.local @!p0 [hbm:s6], $0xF7A  }
0x23: {  	s9 =	sor.u32 $0xD0000000, s2;
	s6 =	simm.s32 $0x108;
	_ =	swait.ge @!p0 [sflag:s8], $0x0  }
0x24: {  	s3 =	sadd.s32 $0x88, s3;
	s6 =	simm.s32 @!p1 $0x1082;
	[sflag:s4] =	ssyncset.s32 $0xFFFFF086  }
0x25: {  	[simem:s6], [sflag:s4] =	dma.local [hbm:s3], $0xF7A  }
0x26: {  	[smem:$0x3F9F] =	sst s1;
	(tag) =	ssettag s2;
	_ =	strace s9  }
0x27: {  	s1 =	sld [smem:$0x3FAF]  }
0x28: {  	s2 =	sld [smem:$0x3FB0]  }
0x29: {  	s4 =	sld [smem:$0x3FB2]  }
0x2a: {  	p0 =	seq.s32 s5, $0x0;
	s5 =	sld [smem:$0x3FB3]  }
0x2b: {  	s6 =	sld [smem:$0x3FB4]  }
0x2c: {  	s7 =	sld [smem:$0x3FB5]  }
0x2d: {  	s3 =	simm.s32 $0x108;
	s8 =	sld [smem:$0x3FB6]  }
0x2e: {  	s3 =	simm.s32 @!p0 $0x1082;
	s9 =	sld [smem:$0x3FB7]  }
0x2f: {  	lr =	sadd.s32 s0, s3;
	s0 =	sld [smem:$0x3FAE]  }
0x30: {  	s3 =	sld [smem:$0x3FB1]  }
0x31: {  	[smem:$0x3FBA] =	sst s10  }
0x32: {  	s10 =	sld [smem:$0x3FB8];
	_ =	sdelay $0x3  }
0x33: {  	p0 =	seq.s32 s10, $0x1;
	s10 =	sld [smem:$0x3FBA];
	_ =	sdelay $0x3  }
0x34: {  	[smem:$0x3FBA] =	sst s10  }
0x35: {  	s10 =	sld [smem:$0x3FB9];
	_ =	sdelay $0x3  }
0x36: {  	p1 =	seq.s32 s10, $0x1;
	s10 =	sld [smem:$0x3FBA];
	_ =	sdelay $0x3  }
0x37: {  	[smem:$0x3FBA] =	sst s10  }
0x38: {  	s10 =	sld [smem:$0x3FBB]  }
0x39: {  	_ = 	snop;
	(pc) =	sbr.ind lr, $3  }
0x3a: {  	_ = 	snop  }
0x3b: {  	_ = 	snop  }
0x3c: {  	p2 =	seq.s32 s10, $0x1;
	s10 =	sld [smem:$0x3FBA]  }
0x3d: {  	_ =	shalt  }
0x3e: {  	_ =	shalt  }
0x3f: {  	_ =	shalt  }
0x40: {  	_ =	shalt  }
0x41: {  	_ =	shalt  }
0x42: {  	_ =	shalt  }
0x43: {  	_ =	shalt  }
0x44: {  	_ =	shalt  }
0x45: {  	_ =	shalt  }
0x46: {  	_ =	shalt  }
0x47: {  	_ =	shalt  }
0x48: {  	_ =	shalt  }
0x49: {  	_ =	shalt  }
0x4a: {  	_ =	shalt  }
0x4b: {  	_ =	shalt  }
0x4c: {  	_ =	shalt  }
0x4d: {  	_ =	shalt  }
0x4e: {  	_ =	shalt  }
0x4f: {  	_ =	shalt  }
0x50: {  	_ =	shalt  }
0x51: {  	_ =	shalt  }
0x52: {  	_ =	shalt  }
0x53: {  	_ =	shalt  }
0x54: {  	_ =	shalt  }
0x55: {  	_ =	shalt  }
0x56: {  	_ =	shalt  }
0x57: {  	_ =	shalt  }
0x58: {  	_ =	shalt  }
0x59: {  	_ =	shalt  }
0x5a: {  	_ =	shalt  }
0x5b: {  	_ =	shalt  }
0x5c: {  	_ =	shalt  }
0x5d: {  	_ =	shalt  }
0x5e: {  	_ =	shalt  }
0x5f: {  	_ =	shalt  }
0x60: {  	_ =	shalt  }
0x61: {  	_ =	shalt  }
0x62: {  	_ =	shalt  }
0x63: {  	_ =	shalt  }
0x64: {  	_ =	shalt  }
0x65: {  	_ =	shalt  }
0x66: {  	_ =	shalt  }
0x67: {  	_ =	shalt  }
0x68: {  	_ =	shalt  }
0x69: {  	_ =	shalt  }
0x6a: {  	_ =	shalt  }
0x6b: {  	_ =	shalt  }
0x6c: {  	_ =	shalt  }
0x6d: {  	_ =	shalt  }
0x6e: {  	_ =	shalt  }
0x6f: {  	_ =	shalt  }
0x70: {  	_ =	shalt  }
0x71: {  	_ =	shalt  }
0x72: {  	_ =	shalt  }
0x73: {  	_ =	shalt  }
0x74: {  	_ =	shalt  }
0x75: {  	_ =	shalt  }
0x76: {  	_ =	shalt  }
0x77: {  	_ =	shalt  }
0x78: {  	_ =	shalt  }
0x79: {  	_ =	shalt  }
0x7a: {  	_ =	shalt  }
0x7b: {  	_ =	shalt  }
0x7c: {  	_ =	shalt  }
0x7d: {  	_ =	shalt  }
0x7e: {  	_ =	shalt  }
0x7f: {  	_ =	shalt  }
0x80: {  	_ =	shalt  }
0x81: {  	_ =	shalt  }
0x82: {  	_ =	shalt  }
0x83: {  	_ =	shalt  }
0x84: {  	_ =	shalt  }
0x85: {  	_ =	shalt  }
0x86: {  	_ =	shalt  }
0x87: {  	_ =	shalt  }
.Lfunc_end0:
.L_simem_size_0:
called_computation_lowered:
.L_overlay_start_0:
0x88: {  	s2 =	sld [smem:$0x3FD9]  }
0x89: {  	s3 =	sld [smem:$0x3FFE];
	_ =	sdelay $0x1  }
0x8a: {  	s1 =	srdreg.scid  }
0x8b: {  	s0 =	sand.u32 $0x1, s1  }
0x8c: {  	s17 =	sshll.u32 s0, $0xA;
	s2 =	sadd.s32 s3, s2  }
0x8d: {  	s2 =	sadd.s32 s2, s17  }
0x8e: {  	[smem:$0x3FC6] =	sst s2  }
0x8f: {  	_ = 	snop  }
0x90: {  	s2 =	sld [smem:$0x3FC8]  }
0x91: {  	s18 =	sld [smem:$0x3FD0];
	(tm) =	ssettm $0x1  }
0x92: {  	s4 =	sld [smem:$0x3FFB];
	_ =	sdelay $0x3  }
0x93: {  	_ =	strace s4  }
0x94: {  	s4 =	sld [smem:$0x3FFC];
	_ =	sdelay $0x3  }
0x95: {  	_ =	strace s4  }
0x96: {  	s4 =	sld [smem:$0x3FFD];
	_ =	sdelay $0x3  }
0x97: {  	_ =	strace s4  }
0x98: {  	_ =	strace $0x8FFFFFFF  }
0x99: {  	s19 =	sld [smem:$0x3FDB];
	_ =	sdelay $0x1  }
0x9a: {  	s5 =	simm.s32 $_scs_section_size  }
0x9b: {  	s6 =	simm.s32 $_size__tile_overlayer_lowered;
	s7 =	simm.s32 $_tile_overlayer_lowered  }
0x9c: {  	s22 =	simm.s32 $0x1BFF;
	s21 =	sshll.u32 s7, $0x1;
	s4 =	sadd.s32 s5, s19  }
0x9d: {  	s8 =	simm.s32 $0x0;
	s20 =	sshll.u32 s6, $0x1;
	s6 =	sadd.s32 s21, s4  }
0x9e: {  	[timem:s8], [sflag:s22] =	dma.local [hbm:s6], s20  }
0x9f: {  	_ =	swait.ge [sflag:s22], s20  }
0xa0: {  	s5 =	ssub.s32 $0x0, s20;
	[sflag:s22] =	ssyncset.done $0x0  }
0xa1: {  	[sflag:s22] =	ssyncadd.s32 s5;
	_ =	sdelay $0x1  }
0xa2: {  	s23 =	simm.s32 $0x1B8B  }
0xa3: {  	_ =	swait.ge [sflag:s23], $0x1  }
0xa4: {  	[sflag:s23] =	ssyncset.done $0x0  }
0xa5: {  	s25 =	simm.s32 $0x1B8E;
	s24 =	sld [smem:$0x3FFE];
	[sflag:s23] =	ssyncadd.s32 $0xFFFFFFFF  }
0xa6: {  	s26 =	simm.s32 $execute0_lowered;
	[smem:$0x3FD2] =	sst s25  }
0xa7: {  	s6 =	sshll.u32 s26, $0x1;
	_ =	strace $0x80000046;
	[dreg:$0x1] =	wrdreg $0xFFFFFFFF  }
0xa8: {  	s28 =	simm.s32 $_size_execute0_lowered;
	s4 =	sadd.s32 s4, s6;
	[dreg:$0x0] =	wrdreg $0x0  }
0xa9: {  	s6 =	sshll.u32 s28, $0x1;
	[dreg:$0x2] =	wrdreg s4  }
0xaa: {  	[dreg:$0x3] =	wrdreg s6  }
0xab: {  	[dreg:$0x4] =	wrdreg $0xC0  }
0xac: {  	_ =	task [dreg:s8], $0x5FFFF  }
0xad: {  	[dreg:$0x1] =	wrdreg $0xFFFFFFFF  }
0xae: {  	[dreg:$0x0] =	wrdreg $0x60  }
0xaf: {  	[dreg:$0x2] =	wrdreg s24  }
0xb0: {  	[dreg:$0x3] =	wrdreg s2  }
0xb1: {  	[dreg:$0x4] =	wrdreg s18  }
0xb2: {  	[dreg:$0x5] =	wrdreg $0x9  }
0xb3: {  	_ =	task.clear_ibuf [dreg:s8], $0x6FFFF;
	_ =	strace $0x90000046  }
0xb4: {  	s29 =	simm.s32 $0x9;
	_ =	strace $0x80000048  }
0xb5: {  	_ =	swait.ge [sflag:s29], $0x1  }
0xb6: {  	[sflag:s29] =	ssyncadd.s32 $0xFFFFFFFF  }
0xb7: {  	_ =	strace $0x90000048  }
0xb8: {  	_ =	sfence  }
0xb9: {  	s30 =	sld [smem:$0x0];
	_ =	sdelay $0x2  }
0xba: {  	s31 =	sshll.u32 s1, $0xD;
	s1 =	sshrl.u32 s1, $0x2  }
0xbb: {  	s3 =	sand.u32 $0x4000, s31;
	s1 =	sadd.s32 s1, s30  }
0xbc: {  	s0 =	sor.u32 s3, s0;
	s1 =	sshll.u32 s1, $0x11  }
0xbd: {  	s0 =	sor.u32 s1, s0  }
0xbe: {  	s0 =	sadd.s32 $0x8F2B, s0  }
0xbf: {  	[sflag:s0] =	ssyncadd.remote.s32 $0x1  }
0xc0: {  	_ =	sfence.sel $0xFFFF  }
0xc1: {  	[dreg:$0x0] =	wrdreg $0xFFFFFFFF;
	(pc) =	sbr.abs _section_cstart, $3  }
0xc2: {  	[dreg:$0x1] =	wrdreg $0xFFFFFFFF  }
0xc3: {  	_ =	task.clear_ibuf [dreg:s8], $0x2FFFF;
	_ =	strace $0x9FFFFFFF  }
0xc4: {  	(tm) =	ssettm $0x7FFFFFFF  }
0xc5: {  	_ =	shalt  }
tec
execute0_lowered:
.L_overlay_start_1:
0x0: {  	(tag) =	ssettag $0x1  }
0x1: {  	s0 =	rddreg [dreg:$0x0]  }
0x2: {  	s1 =	srdreg.scid;
	s2 =	rddreg [dreg:$0x1]  }
0x3: {  	s8 =	stileid.u32;
	s7 =	rddreg [dreg:$0x2]  }
0x4: {  	s12 =	simm.s32 $0xB;
	s13 =	simm.s32 $0x80;
	s14 =	simm.s32 $0x6400  }
0x5: {  	s15 =	simm.s32 $0xA400;
	s17 =	simm.s32 $0xE400;
	s19 =	simm.s32 $0x12400  }
0x6: {  	s21 =	simm.s32 $0x16400;
	s22 =	simm.s32 $0x1;
	s23 =	simm.s32 $0x2  }
0x7: {  	s28 =	simm.s32 $0x6;
	s29 =	simm.s32 $0x7;
	s30 =	simm.s32 $0x8  }
0x8: {  	s1 =	sand.u32 $0x1, s1;
	s3 =	sshll.u32 s8, $0x1;
	s8 =	smul.u32 $0xC8000, s8  }
0x9: {  	s4 =	sor.u32 s1, s3;
	s6 =	ssub.s32 $0x2, s1;
	s1 =	smul.u32 $0x64000, s1  }
0xa: {  	s31 =	simm.s32 $0x9;
	s3 =	simm.s32 $0x0;
	s5 =	smul.u32 $0xC80, s4  }
0xb: {  	[smem:$0x7FF] =	sst s3;
	s4 =	smul.u32 $0x320000, s4;
	s24 =	sshrl.u32 s6, $0x1  }
0xc: {  	s9 =	sadd.s32 s8, s7;
	_ =	strace $0x80000047;
	s10 =	ssub.s32 s6, s24  }
0xd: {  	s1 =	sadd.s32 s1, s9;
	s24 =	simm.s32 $0x3;
	s0 =	sadd.s32 s5, s0  }
0xe: {  	s25 =	sshrl.u32 s4, $0x3;
	s10 =	smax.u32 s10, $0x1;
	s11 =	sadd.s32 $0x2000, s1  }
0xf: {  	s1 =	simm.s32 $0xA;
	s0 =	sadd.s32 $0x400, s0;
	s26 =	sadd.s32 s7, s25  }
0x10: {  	s25 =	simm.s32 $0x4;
	[dreg:$0x4] =	wrdreg s0;
	s5 =	sadd.s32 $0x61800, s26  }
0x11: {  	s6 =	sadd.s32 $0x62000, s26;
	s7 =	sadd.s32 $0x62800, s26;
	s8 =	sadd.s32 $0x63000, s26  }
0x12: {  	s9 =	sadd.s32 $0x63800, s26;
	s26 =	simm.s32 $0x5;
	s0 =	simm.s32 $0x0  }
.LBB2_1:
0x13: {  	s4 =	rddreg [dreg:$0x4]  }
0x14: {  	[tilespmem:s3], [sflag:$0xB] =	stream.linear.gather [hbm4b:s4+s3], $0x6400, $0x38;
	[tilespmem:$0x1A400] =	vst v63  }
0x15: {  	_ =	swait.ge [sflag:s12], $0x6400  }
0x16: {  	[sflag:s12] =	ssyncset.done $0x0  }
0x17: {  	[sflag:s12] =	ssyncadd.s32 $0xFFFF9C00  }
0x18: {  	[tilespmem:s14], [sflag:$0x1] =	stream.indirect.gather [hbm4b:s2+s13], $0x80, s3, s13, $0xb8;
	[tilespmem:$0x1A400] =	vst v63  }
0x19: {  	_ = 	snop  }
0x1a: {  	[tilespmem:s15], [sflag:$0x2] =	stream.indirect.gather [hbm4b:s2+s13], $0x80, s13, s13, $0xb8;
	[tilespmem:$0x1A400] =	vst v63  }
0x1b: {  	s20 =	simm.s32 $0x100  }
0x1c: {  	[tilespmem:s17], [sflag:$0x3] =	stream.indirect.gather [hbm4b:s2+s13], $0x80, s20, s13, $0xb8;
	[tilespmem:$0x1A400] =	vst v63  }
0x1d: {  	s16 =	simm.s32 $0x180  }
0x1e: {  	[tilespmem:s19], [sflag:$0x4] =	stream.indirect.gather [hbm4b:s2+s13], $0x80, s16, s13, $0xb8;
	[tilespmem:$0x1A400] =	vst v63  }
0x1f: {  	s18 =	simm.s32 $0x200  }
0x20: {  	[tilespmem:s21], [sflag:$0x5] =	stream.indirect.gather [hbm4b:s2+s13], $0x80, s18, s13, $0xb8;
	[tilespmem:$0x1A400] =	vst v63  }
0x21: {  	_ =	swait.ge [sflag:s22], $0x4000  }
0x22: {  	[sflag:s22] =	ssyncset.done $0x0  }
0x23: {  	s16 =	sadd.s32 $0xFFFFE000, s11;
	[sflag:s22] =	ssyncadd.s32 $0xFFFFC000  }
0x24: {  	[hbm4b:s16+s3] =	stream.linear.scatter [tilespmem:s14], [sflag:$0x6], $0x4000, $0x38;
	[tilespmem:$0x1A400] =	vst v63  }
0x25: {  	_ =	swait.ge [sflag:s23], $0x4000  }
0x26: {  	[sflag:s23] =	ssyncset.done $0x0  }
0x27: {  	s20 =	sadd.s32 $0xFFFFE800, s11;
	[sflag:s23] =	ssyncadd.s32 $0xFFFFC000  }
0x28: {  	[hbm4b:s20+s3] =	stream.linear.scatter [tilespmem:s15], [sflag:$0x7], $0x4000, $0x38;
	[tilespmem:$0x1A400] =	vst v63  }
0x29: {  	_ =	swait.ge [sflag:s24], $0x4000  }
0x2a: {  	[sflag:s24] =	ssyncset.done $0x0  }
0x2b: {  	s4 =	sadd.s32 $0xFFFFF000, s11;
	[sflag:s24] =	ssyncadd.s32 $0xFFFFC000  }
0x2c: {  	[hbm4b:s4+s3] =	stream.linear.scatter [tilespmem:s17], [sflag:$0x8], $0x4000, $0x38;
	[tilespmem:$0x1A400] =	vst v63  }
0x2d: {  	_ =	swait.ge [sflag:s25], $0x4000  }
0x2e: {  	[sflag:s25] =	ssyncset.done $0x0  }
0x2f: {  	s18 =	sadd.s32 $0xFFFFF800, s11;
	[sflag:s25] =	ssyncadd.s32 $0xFFFFC000  }
0x30: {  	[hbm4b:s18+s3] =	stream.linear.scatter [tilespmem:s19], [sflag:$0x9], $0x4000, $0x38;
	[tilespmem:$0x1A400] =	vst v63  }
0x31: {  	_ =	swait.ge [sflag:s26], $0x4000  }
0x32: {  	[sflag:s26] =	ssyncset.done $0x0  }
0x33: {  	[sflag:s26] =	ssyncadd.s32 $0xFFFFC000  }
0x34: {  	[hbm4b:s11+s3] =	stream.linear.scatter [tilespmem:s21], [sflag:$0xA], $0x4000, $0x38;
	[tilespmem:$0x1A400] =	vst v63  }
0x35: {  	_ =	swait.ge [sflag:s28], $0x4000  }
0x36: {  	[sflag:s28] =	ssyncset.done $0x0  }
0x37: {  	s20 =	simm.s32 $0x280;
	[sflag:s28] =	ssyncadd.s32 $0xFFFFC000  }
0x38: {  	[tilespmem:s14], [sflag:$0x1] =	stream.indirect.gather [hbm4b:s2+s13], $0x80, s20, s13, $0xb8;
	[tilespmem:$0x1A400] =	vst v63  }
0x39: {  	_ =	swait.ge [sflag:s29], $0x4000  }
0x3a: {  	[sflag:s29] =	ssyncset.done $0x0  }
0x3b: {  	s4 =	simm.s32 $0x300;
	[sflag:s29] =	ssyncadd.s32 $0xFFFFC000  }
0x3c: {  	[tilespmem:s15], [sflag:$0x2] =	stream.indirect.gather [hbm4b:s2+s13], $0x80, s4, s13, $0xb8;
	[tilespmem:$0x1A400] =	vst v63  }
0x3d: {  	_ =	swait.ge [sflag:s30], $0x4000  }
0x3e: {  	[sflag:s30] =	ssyncset.done $0x0  }
0x3f: {  	s18 =	simm.s32 $0x380;
	[sflag:s30] =	ssyncadd.s32 $0xFFFFC000  }
0x40: {  	[tilespmem:s17], [sflag:$0x3] =	stream.indirect.gather [hbm4b:s2+s13], $0x80, s18, s13, $0xb8;
	[tilespmem:$0x1A400] =	vst v63  }
0x41: {  	_ =	swait.ge [sflag:s31], $0x4000  }
0x42: {  	[sflag:s31] =	ssyncset.done $0x0  }
0x43: {  	s20 =	simm.s32 $0x400;
	[sflag:s31] =	ssyncadd.s32 $0xFFFFC000  }
0x44: {  	[tilespmem:s19], [sflag:$0x4] =	stream.indirect.gather [hbm4b:s2+s13], $0x80, s20, s13, $0xb8;
	[tilespmem:$0x1A400] =	vst v63  }
0x45: {  	_ =	swait.ge [sflag:s1], $0x4000  }
0x46: {  	s16 =	simm.s32 $0xA00;
	[sflag:s1] =	ssyncset.done $0x0  }
0x47: {  	s18 =	sadd.s32 $0x2800, s11;
	s20 =	simm.s32 $0x480;
	[sflag:s1] =	ssyncadd.s32 $0xFFFFC000  }
.LBB2_2:
0x48: {  	[tilespmem:s21], [sflag:$0x5] =	stream.indirect.gather [hbm4b:s2+s13], $0x80, s20, s13, $0xb8;
	[tilespmem:$0x1A400] =	vst v63  }
0x49: {  	s20 =	smov.u32 s16  }
0x4a: {  	p0 =	sne.s32 s16, $0x17C00;
	s16 =	sadd.s32 $0xA00, s16;
	_ =	swait.ge [sflag:s22], $0x4000  }
0x4b: {  	[sflag:s22] =	ssyncset.done $0x0  }
0x4c: {  	s4 =	sadd.s32 $0xFFFFE000, s18;
	[sflag:s22] =	ssyncadd.s32 $0xFFFFC000  }
0x4d: {  	[hbm4b:s4+s3] =	stream.linear.scatter [tilespmem:s14], [sflag:$0x6], $0x4000, $0x38;
	[tilespmem:$0x1A400] =	vst v63  }
0x4e: {  	_ =	swait.ge [sflag:s23], $0x4000  }
0x4f: {  	[sflag:s23] =	ssyncset.done $0x0  }
0x50: {  	s4 =	sadd.s32 $0xFFFFE800, s18;
	[sflag:s23] =	ssyncadd.s32 $0xFFFFC000  }
0x51: {  	[hbm4b:s4+s3] =	stream.linear.scatter [tilespmem:s15], [sflag:$0x7], $0x4000, $0x38;
	[tilespmem:$0x1A400] =	vst v63  }
0x52: {  	_ =	swait.ge [sflag:s24], $0x4000  }
0x53: {  	[sflag:s24] =	ssyncset.done $0x0  }
0x54: {  	s4 =	sadd.s32 $0xFFFFF000, s18;
	[sflag:s24] =	ssyncadd.s32 $0xFFFFC000  }
0x55: {  	[hbm4b:s4+s3] =	stream.linear.scatter [tilespmem:s17], [sflag:$0x8], $0x4000, $0x38;
	[tilespmem:$0x1A400] =	vst v63  }
0x56: {  	_ =	swait.ge [sflag:s25], $0x4000  }
0x57: {  	[sflag:s25] =	ssyncset.done $0x0  }
0x58: {  	s4 =	sadd.s32 $0xFFFFF800, s18;
	[sflag:s25] =	ssyncadd.s32 $0xFFFFC000  }
0x59: {  	[hbm4b:s4+s3] =	stream.linear.scatter [tilespmem:s19], [sflag:$0x9], $0x4000, $0x38;
	[tilespmem:$0x1A400] =	vst v63  }
0x5a: {  	_ =	swait.ge [sflag:s26], $0x4000  }
0x5b: {  	[sflag:s26] =	ssyncset.done $0x0  }
0x5c: {  	[sflag:s26] =	ssyncadd.s32 $0xFFFFC000  }
0x5d: {  	[hbm4b:s18+s3] =	stream.linear.scatter [tilespmem:s21], [sflag:$0xA], $0x4000, $0x38;
	[tilespmem:$0x1A400] =	vst v63  }
0x5e: {  	_ =	swait.ge [sflag:s28], $0x4000  }
0x5f: {  	s4 =	sshra.s32 s20, $0x2;
	[sflag:s28] =	ssyncset.done $0x0  }
0x60: {  	s20 =	sadd.s32 $0x280, s4;
	[sflag:s28] =	ssyncadd.s32 $0xFFFFC000  }
0x61: {  	[tilespmem:s14], [sflag:$0x1] =	stream.indirect.gather [hbm4b:s2+s13], $0x80, s20, s13, $0xb8;
	[tilespmem:$0x1A400] =	vst v63  }
0x62: {  	_ =	swait.ge [sflag:s29], $0x4000  }
0x63: {  	[sflag:s29] =	ssyncset.done $0x0  }
0x64: {  	s20 =	sadd.s32 $0x300, s4;
	[sflag:s29] =	ssyncadd.s32 $0xFFFFC000  }
0x65: {  	[tilespmem:s15], [sflag:$0x2] =	stream.indirect.gather [hbm4b:s2+s13], $0x80, s20, s13, $0xb8;
	[tilespmem:$0x1A400] =	vst v63  }
0x66: {  	_ =	swait.ge [sflag:s30], $0x4000  }
0x67: {  	[sflag:s30] =	ssyncset.done $0x0  }
0x68: {  	s20 =	sadd.s32 $0x380, s4;
	[sflag:s30] =	ssyncadd.s32 $0xFFFFC000  }
0x69: {  	[tilespmem:s17], [sflag:$0x3] =	stream.indirect.gather [hbm4b:s2+s13], $0x80, s20, s13, $0xb8;
	[tilespmem:$0x1A400] =	vst v63  }
0x6a: {  	_ =	swait.ge [sflag:s31], $0x4000  }
0x6b: {  	[sflag:s31] =	ssyncset.done $0x0  }
.Ltmp0:
0x6c: {  	s20 =	sadd.s32 $0x400, s4;
	[sflag:s31] =	ssyncadd.s32 $0xFFFFC000;
	(pc) =	sbr.rel @p0 .LBB2_2-.Ltmp0, $4  }
0x6d: {  	[tilespmem:s19], [sflag:$0x4] =	stream.indirect.gather [hbm4b:s2+s13], $0x80, s20, s13, $0xb8;
	[tilespmem:$0x1A400] =	vst v63  }
0x6e: {  	_ =	swait.ge [sflag:s1], $0x4000  }
0x6f: {  	[sflag:s1] =	ssyncset.done $0x0  }
0x70: {  	s18 =	sadd.s32 $0x2800, s18;
	s20 =	sadd.s32 $0x480, s4;
	[sflag:s1] =	ssyncadd.s32 $0xFFFFC000  }
0x71: {  	[tilespmem:s21], [sflag:$0x5] =	stream.indirect.gather [hbm4b:s2+s13], $0x80, s20, s13, $0xb8;
	[tilespmem:$0x1A400] =	vst v63  }
0x72: {  	_ =	swait.ge [sflag:s22], $0x4000  }
0x73: {  	[sflag:s22] =	ssyncset.done $0x0  }
0x74: {  	[sflag:s22] =	ssyncadd.s32 $0xFFFFC000  }
0x75: {  	[hbm4b:s5+s3] =	stream.linear.scatter [tilespmem:s14], [sflag:$0x6], $0x4000, $0x38;
	[tilespmem:$0x1A400] =	vst v63  }
0x76: {  	_ =	swait.ge [sflag:s23], $0x4000  }
0x77: {  	[sflag:s23] =	ssyncset.done $0x0  }
0x78: {  	[sflag:s23] =	ssyncadd.s32 $0xFFFFC000  }
0x79: {  	[hbm4b:s6+s3] =	stream.linear.scatter [tilespmem:s15], [sflag:$0x7], $0x4000, $0x38;
	[tilespmem:$0x1A400] =	vst v63  }
0x7a: {  	_ =	swait.ge [sflag:s24], $0x4000  }
0x7b: {  	[sflag:s24] =	ssyncset.done $0x0  }
0x7c: {  	[sflag:s24] =	ssyncadd.s32 $0xFFFFC000  }
0x7d: {  	[hbm4b:s7+s3] =	stream.linear.scatter [tilespmem:s17], [sflag:$0x8], $0x4000, $0x38;
	[tilespmem:$0x1A400] =	vst v63  }
0x7e: {  	_ =	swait.ge [sflag:s25], $0x4000  }
0x7f: {  	[sflag:s25] =	ssyncset.done $0x0  }
0x80: {  	[sflag:s25] =	ssyncadd.s32 $0xFFFFC000  }
0x81: {  	[hbm4b:s8+s3] =	stream.linear.scatter [tilespmem:s19], [sflag:$0x9], $0x4000, $0x38;
	[tilespmem:$0x1A400] =	vst v63  }
0x82: {  	_ =	swait.ge [sflag:s26], $0x4000  }
0x83: {  	[sflag:s26] =	ssyncset.done $0x0  }
0x84: {  	[sflag:s26] =	ssyncadd.s32 $0xFFFFC000  }
0x85: {  	[hbm4b:s9+s3] =	stream.linear.scatter [tilespmem:s21], [sflag:$0xA], $0x4000, $0x38;
	[tilespmem:$0x1A400] =	vst v63  }
0x86: {  	_ =	swait.ge [sflag:s28], $0x4000  }
0x87: {  	[sflag:s28] =	ssyncset.done $0x0  }
0x88: {  	[sflag:s28] =	ssyncadd.s32 $0xFFFFC000  }
0x89: {  	_ =	swait.ge [sflag:s29], $0x4000  }
0x8a: {  	[sflag:s29] =	ssyncset.done $0x0  }
0x8b: {  	[sflag:s29] =	ssyncadd.s32 $0xFFFFC000  }
0x8c: {  	_ =	swait.ge [sflag:s30], $0x4000  }
0x8d: {  	[sflag:s30] =	ssyncset.done $0x0  }
0x8e: {  	s0 =	sadd.s32 $0x1, s0;
	[sflag:s30] =	ssyncadd.s32 $0xFFFFC000  }
0x8f: {  	p0 =	sne.s32 s0, s10;
	_ =	swait.ge [sflag:s31], $0x4000  }
.Ltmp1:
0x90: {  	[sflag:s31] =	ssyncset.done $0x0;
	(pc) =	sbr.rel @p0 .LBB2_1-.Ltmp1, $4  }
0x91: {  	[sflag:s31] =	ssyncadd.s32 $0xFFFFC000  }
0x92: {  	_ =	swait.ge [sflag:s1], $0x4000  }
0x93: {  	[sflag:s1] =	ssyncset.done $0x0  }
0x94: {  	[sflag:s1] =	ssyncadd.s32 $0xFFFFC000  }
0x95: {  	_ =	sfence.sel $0x180000  }
0x96: {  	[bflag:$0x0] =	sbarrier.arrive $0xFFFF  }
0x97: {  	_ =	strace $0x90000047  }
0x98: {  	s0 =	stileid.u32;
	[bflag:$0x2] =	sbarrier.arrive $0xFFFF  }
0x99: {  	p0 =	sne.s32 s0, $0x0;
	s0 =	rddreg [dreg:$0x3]  }
0x9a: {  	s0 =	sadd.s32 @!p0 $0x100000, s0  }
0x9b: {  	[sflag:s0] =	ssyncadd.tile.s32 @!p0 $0x1;
	_ =	shalt  }
.Lfunc_end2:
_tile_overlayer_lowered:
.L_overlay_start_2:
0x9c: {  	(tag) =	ssettag $0x2  }
0x9d: {  	s0 =	rddreg [dreg:$0x0];
	s2 =	stileid.u32  }
0x9e: {  	s1 =	rddreg [dreg:$0x1];
	p0 =	sne.s32 s2, $0x0  }
0x9f: {  	s3 =	rddreg [dreg:$0x2];
	[bflag:$0x3] =	sbarrier.arrive $0xFFFF;
	s2 =	simm.s32 @!p0 $0x1C0B  }
0xa0: {  	[timem:s3], [sflag:s2] =	dma.local @!p0 [hbm:s0], s1  }
0xa1: {  	s0 =	simm.s32 @!p0 $0xB  }
0xa2: {  	_ =	swait.ge @!p0 [sflag:s0], s1  }
0xa3: {  	s1 =	ssub.s32 @!p0 $0x0, s1;
	[sflag:s0] =	ssyncset.done @!p0 $0x0  }
0xa4: {  	[sflag:s0] =	ssyncadd.s32 @!p0 s1  }
0xa5: {  	[bflag:$0x3] =	sbarrier.arrive $0xFFFF  }
0xa6: {  	_ =	shalt  }

</sc_bundles>
